<compile_context>
chip_gen: v7x
topology: tpu7x:2x2x1
jax: 0.10.2.dev20260603
libtpu: 0.0.44.dev20260713+nightly
codegen_flags: <defaults>
</compile_context>

<pallas_src>
import functools

import jax
import jax.numpy as jnp
from jax import lax
from jax.experimental import pallas as pl
from jax.experimental.pallas import tpu as pltpu
from jax.experimental.pallas import tpu_sc as plsc

NC, NS = 2, 16
NW = NC * NS


def _tc_transpose(tbl_t, V, D):
    blk = _BLK
    grid = pl.cdiv(V, blk)

    pack = 128 // D
    q = blk // pack

    def body(x_ref, o_ref):
        eye = jnp.eye(D, dtype=jnp.float32)
        t = jax.lax.dot_general(
            x_ref[...], eye, (((0,), (0,)), ((), ())),
            preferred_element_type=jnp.float32)
        row = jax.lax.broadcasted_iota(jnp.int32, (D, 128), 0)
        col = jax.lax.broadcasted_iota(jnp.int32, (D, 128), 1)
        acc = jnp.zeros((q, 128), jnp.float32)
        for j in range(pack):
            ej = (col == j * D + row).astype(jnp.float32)
            acc = acc + jax.lax.dot(t[j * q:(j + 1) * q, :], ej,
                                    preferred_element_type=jnp.float32)
        o_ref[...] = acc

    packed = pl.pallas_call(
        body,
        grid=(grid,),
        in_specs=[pl.BlockSpec((D, blk), lambda i: (0, i))],
        out_specs=pl.BlockSpec((q, 128), lambda i: (i, 0)),
        out_shape=jax.ShapeDtypeStruct((grid * q, 128), jnp.float32),
    )(tbl_t)
    return packed.reshape(grid * blk, D)


_BLK = 32768
_QSHIFT = (_BLK // 4).bit_length() - 1


def _pack_index(v):
    rem = v & (_BLK - 1)
    qsz = _BLK // 4
    return v - rem + ((rem & (qsz - 1)) << 2) + (rem >> _QSHIFT)


def _sc_gather_out(pos, neg_flat, out_rm, B, K, D):
    b_per_w = B // NW
    n_per_w = (B * K) // NW
    n_chunk = 1024
    n_chunks = n_per_w // n_chunk
    mesh = plsc.VectorSubcoreMesh(core_axis_name="c", subcore_axis_name="s")

    @functools.partial(
        pl.kernel,
        out_type=(
            jax.ShapeDtypeStruct((B, D), jnp.float32),
            jax.ShapeDtypeStruct((B * K, D), jnp.float32),
        ),
        mesh=mesh,
        compiler_params=pltpu.CompilerParams(use_tc_tiling_on_sc=False),
        scratch_types=[
            pltpu.VMEM((b_per_w,), jnp.int32),
            pltpu.VMEM((b_per_w, D), jnp.float32),
            pltpu.VMEM((n_chunk,), jnp.int32),
            pltpu.VMEM((n_chunk, D), jnp.float32),
            pltpu.SemaphoreType.DMA,
        ],
    )
    def gather_kernel(pos_h, neg_h, out_w, u_out, g_out,
                      idx_v, rows_v, nidx_v, nrows_v, sem):
        wid = lax.axis_index("s") * NC + lax.axis_index("c")
        base = pl.multiple_of(wid * b_per_w, 8)
        pltpu.sync_copy(pos_h.at[pl.ds(base, b_per_w)], idx_v)
        pltpu.async_copy(out_w.at[idx_v], rows_v, sem).wait()
        pltpu.sync_copy(rows_v, u_out.at[pl.ds(base, b_per_w)])
        for c in range(n_chunks):
            nbase = pl.multiple_of(wid * n_per_w + c * n_chunk, 8)
            pltpu.sync_copy(neg_h.at[pl.ds(nbase, n_chunk)], nidx_v)
            pltpu.async_copy(out_w.at[nidx_v], nrows_v, sem).wait()
            pltpu.sync_copy(nrows_v, g_out.at[pl.ds(nbase, n_chunk)])

    return gather_kernel(pos, neg_flat, out_rm)


def _sc_gather_in(center, in_rm, B, D):
    b_per_w = B // NW
    mesh = plsc.VectorSubcoreMesh(core_axis_name="c", subcore_axis_name="s")

    @functools.partial(
        pl.kernel,
        out_type=jax.ShapeDtypeStruct((B, D), jnp.float32),
        mesh=mesh,
        compiler_params=pltpu.CompilerParams(use_tc_tiling_on_sc=False),
        scratch_types=[
            pltpu.VMEM((b_per_w,), jnp.int32),
            pltpu.VMEM((b_per_w, D), jnp.float32),
            pltpu.SemaphoreType.DMA,
        ],
    )
    def gather_kernel(center_h, in_w, v_out, idx_v, rows_v, sem):
        wid = lax.axis_index("s") * NC + lax.axis_index("c")
        base = pl.multiple_of(wid * b_per_w, 8)
        pltpu.sync_copy(center_h.at[pl.ds(base, b_per_w)], idx_v)
        pltpu.async_copy(in_w.at[idx_v], rows_v, sem).wait()
        pltpu.sync_copy(rows_v, v_out.at[pl.ds(base, b_per_w)])

    return gather_kernel(center, in_rm)


def _softplus(x):
    return jnp.maximum(x, 0.0) + jnp.log1p(jnp.exp(-jnp.abs(x)))


def _tc_loss(v_rows, u_rows, g_rows, B, K, D):
    blk = 512
    grid = B // blk
    inv_b = 1.0 / B

    def body(v_ref, u_ref, g_ref, o_ref):
        @pl.when(pl.program_id(0) == 0)
        def _init():
            o_ref[...] = jnp.zeros_like(o_ref)

        v = v_ref[...]
        vu = v * u_ref[...]
        pos_l = jax.lax.dot(vu, jnp.ones((D, 1), jnp.float32),
                            preferred_element_type=jnp.float32)
        vt = jnp.concatenate([v] * K, axis=1)
        p = vt * g_ref[...]
        seg_r = jax.lax.broadcasted_iota(jnp.int32, (K * D, K), 0)
        seg_c = jax.lax.broadcasted_iota(jnp.int32, (K * D, K), 1)
        mask = (seg_r // D == seg_c).astype(jnp.float32)
        neg_l = jax.lax.dot(p, mask, preferred_element_type=jnp.float32)
        acc = _softplus(jnp.concatenate([-pos_l, neg_l], axis=1))
        o_ref[...] += jnp.sum(acc).reshape(1, 1) * inv_b

    return pl.pallas_call(
        body,
        grid=(grid,),
        in_specs=[
            pl.BlockSpec((blk, D), lambda i: (i, 0)),
            pl.BlockSpec((blk, D), lambda i: (i, 0)),
            pl.BlockSpec((blk, K * D), lambda i: (i, 0)),
        ],
        out_specs=pl.BlockSpec((1, 1), lambda i: (0, 0)),
        out_shape=jax.ShapeDtypeStruct((1, 1), jnp.float32),
    )(v_rows, u_rows, g_rows)


def kernel(center, pos, neg, in_emb_w, out_emb_w):
    B, = center.shape
    K = neg.shape[1]
    V, D = in_emb_w.shape
    center = _pack_index(center.astype(jnp.int32))
    pos = _pack_index(pos.astype(jnp.int32))
    neg_flat = _pack_index(neg.reshape(-1).astype(jnp.int32))
    out_rm = _tc_transpose(out_emb_w.T, V, D)
    u_rows, g_rows = _sc_gather_out(pos, neg_flat, out_rm, B, K, D)
    in_rm = _tc_transpose(in_emb_w.T, V, D)
    v_rows = _sc_gather_in(center, in_rm, B, D)
    loss = _tc_loss(v_rows, u_rows, g_rows.reshape(B, K * D), B, K, D)
    return loss.reshape(1)

# --- scband reference (transcript-rebuilt; emitter-appended) ---
"""Pipeline reference for scband-sgns-34291018891342 (READ-ONLY COPY).

The authoritative reference and input builder live on the scoring server;
editing this copy changes nothing except your own understanding.
"""

import jax, jax.numpy as jnp
import numpy as np

V, D, B, K = 1000000, 32, 16384, 20

def setup_inputs(seed: int = 0) -> dict:
    key = jax.random.key(seed)
    k1, k2, k3, k4, k5 = jax.random.split(key, 5)
    center = jax.random.randint(k1, (B,), 0, V)
    pos = jax.random.randint(k2, (B,), 0, V)
    neg = jax.random.randint(k3, (B, K), 0, V)
    bound = 0.5 / D
    in_emb_w = jax.random.uniform(k4, (V, D), minval=-bound, maxval=bound, dtype=jnp.float32)
    out_emb_w = jax.random.uniform(k5, (V, D), minval=-bound, maxval=bound, dtype=jnp.float32)
    return {"center": center, "pos": pos, "neg": neg, "in_emb_w": in_emb_w, "out_emb_w": out_emb_w}

def reference(center, pos, neg, in_emb_w, out_emb_w):
    v = jnp.take(in_emb_w, center, axis=0)          # [B, D]
    u = jnp.take(out_emb_w, pos, axis=0)            # [B, D]
    neg_u = jnp.take(out_emb_w, neg, axis=0)        # [B, K, D]
    pos_logit = jnp.sum(v * u, axis=1)              # [B]
    neg_logit = jnp.einsum('bd,bkd->bk', v, neg_u)  # [B, K]
    pos_loss = jax.nn.softplus(-pos_logit)
    neg_loss = jnp.sum(jax.nn.softplus(neg_logit), axis=1)
    return jnp.mean(pos_loss + neg_loss)[None]

if __name__ == "__main__":
    import jax
    _d = setup_inputs()
    print(jax.jit(kernel)(*tuple(_d.values())))

</pallas_src>

<mosaic_0001>
#map = affine_map<(d0, d1) -> (0)>
#map1 = affine_map<(d0, d1) -> (0, 0)>
module attributes {stable_mosaic.version = 14 : i64} {
  func.func @gather_kernel(%arg0: i32, %arg1: i32, %arg2: memref<16384xi32, #tpu.memory_space<hbm>>, %arg3: memref<1015808x32xf32, #tpu.memory_space<hbm>>, %arg4: memref<16384x32xf32, #tpu.memory_space<hbm>>, %arg5: memref<512xi32, #tpu.memory_space<vmem>>, %arg6: memref<512x32xf32, #tpu.memory_space<vmem>>, %arg7: memref<!tpu.dma_semaphore, #tpu.memory_space<semaphore_mem>>) attributes {dimension_semantics = [#tpu.dimension_semantics<core_parallel>, #tpu.dimension_semantics<subcore_parallel>], iteration_bounds = array<i64: 2, 16>, scalar_prefetch = 0 : i64, scratch_operands = 3 : i64, tpu.core_type = #tpu.core_type<sc_vector_subcore>, window_params = [{transform_indices = #map}, {transform_indices = #map1}, {transform_indices = #map1}]} {
    %mul3A = arith.constant 2 : i32
    %mul3A_0 = arith.muli %arg1, %mul3A : i32
    %add3A = arith.addi %mul3A_0, %arg0 : i32
    %mul3A_1 = arith.constant 512 : i32
    %mul3A_2 = arith.muli %add3A, %mul3A_1 : i32
    %multiple_of3A = tpu.assume_multiple %mul3A_2, 8 : i32
    "tpu.region"() ({
      %run_scoped3A = tpu.sem_alloc : memref<!tpu.dma_semaphore, #tpu.memory_space<semaphore_mem>>
      %dma_start3A_7 = tpu.memref_slice %arg2[%multiple_of3A] : memref<16384xi32, #tpu.memory_space<hbm>> -> memref<512xi32, #tpu.memory_space<hbm>>
      %dma_start3A_8 = tpu.memref_slice %arg2[%multiple_of3A] : memref<16384xi32, #tpu.memory_space<hbm>> -> memref<512xi32, #tpu.memory_space<hbm>>
      tpu.enqueue_dma source(%dma_start3A_8 : memref<512xi32, #tpu.memory_space<hbm>>) target(%arg5 : memref<512xi32, #tpu.memory_space<vmem>>) target_semaphore(%run_scoped3A : memref<!tpu.dma_semaphore, #tpu.memory_space<semaphore_mem>>)
      %dma_wait3A_9 = tpu.memref_slice %arg2[%multiple_of3A] : memref<16384xi32, #tpu.memory_space<hbm>> -> memref<512xi32, #tpu.memory_space<hbm>>
      %dma_wait3A_10 = tpu.memref_slice %arg2[%multiple_of3A] : memref<16384xi32, #tpu.memory_space<hbm>> -> memref<512xi32, #tpu.memory_space<hbm>>
      tpu.wait_dma2 semaphore(%run_scoped3A : memref<!tpu.dma_semaphore, #tpu.memory_space<semaphore_mem>>) src(%dma_wait3A_10 : memref<512xi32, #tpu.memory_space<hbm>>) dst(%arg5 : memref<512xi32, #tpu.memory_space<vmem>>)
      tpu.yield
    }) : () -> ()
    %dma_start3A = arith.constant 0 : i32
    %dma_start3A_3 = arith.constant 0 : i32
    %dma_start3A_4 = tpu.memref_slice %arg3[%dma_start3A, %dma_start3A_3] : memref<1015808x32xf32, #tpu.memory_space<hbm>> -> memref<1015808x32xf32, #tpu.memory_space<hbm>>
    tpu.enqueue_indirect_dma source(%dma_start3A_4 : memref<1015808x32xf32, #tpu.memory_space<hbm>>) target(%arg6 : memref<512x32xf32, #tpu.memory_space<vmem>>) offsets(%arg5 : memref<512xi32, #tpu.memory_space<vmem>>) semaphore(%arg7 : memref<!tpu.dma_semaphore, #tpu.memory_space<semaphore_mem>>)
    %dma_wait3A = arith.constant 0 : i32
    %dma_wait3A_5 = arith.constant 0 : i32
    %dma_wait3A_6 = tpu.memref_slice %arg3[%dma_wait3A, %dma_wait3A_5] : memref<1015808x32xf32, #tpu.memory_space<hbm>> -> memref<1015808x32xf32, #tpu.memory_space<hbm>>
    tpu.wait_indirect_dma semaphore(%arg7 : memref<!tpu.dma_semaphore, #tpu.memory_space<semaphore_mem>>) src(%dma_wait3A_6 : memref<1015808x32xf32, #tpu.memory_space<hbm>>) dst(%arg6 : memref<512x32xf32, #tpu.memory_space<vmem>>)
    "tpu.region"() ({
      %run_scoped3A = tpu.sem_alloc : memref<!tpu.dma_semaphore, #tpu.memory_space<semaphore_mem>>
      %dma_start3A_7 = arith.constant 0 : i32
      %dma_start3A_8 = tpu.memref_slice %arg4[%multiple_of3A, %dma_start3A_7] : memref<16384x32xf32, #tpu.memory_space<hbm>> -> memref<512x32xf32, #tpu.memory_space<hbm>>
      %dma_start3A_9 = arith.constant 0 : i32
      %dma_start3A_10 = tpu.memref_slice %arg4[%multiple_of3A, %dma_start3A_9] : memref<16384x32xf32, #tpu.memory_space<hbm>> -> memref<512x32xf32, #tpu.memory_space<hbm>>
      tpu.enqueue_dma source(%arg6 : memref<512x32xf32, #tpu.memory_space<vmem>>) target(%dma_start3A_10 : memref<512x32xf32, #tpu.memory_space<hbm>>) target_semaphore(%run_scoped3A : memref<!tpu.dma_semaphore, #tpu.memory_space<semaphore_mem>>)
      %dma_wait3A_11 = arith.constant 0 : i32
      %dma_wait3A_12 = tpu.memref_slice %arg4[%multiple_of3A, %dma_wait3A_11] : memref<16384x32xf32, #tpu.memory_space<hbm>> -> memref<512x32xf32, #tpu.memory_space<hbm>>
      %dma_wait3A_13 = arith.constant 0 : i32
      %dma_wait3A_14 = tpu.memref_slice %arg4[%multiple_of3A, %dma_wait3A_13] : memref<16384x32xf32, #tpu.memory_space<hbm>> -> memref<512x32xf32, #tpu.memory_space<hbm>>
      tpu.wait_dma2 semaphore(%run_scoped3A : memref<!tpu.dma_semaphore, #tpu.memory_space<semaphore_mem>>) src(%arg6 : memref<512x32xf32, #tpu.memory_space<vmem>>) dst(%dma_wait3A_14 : memref<512x32xf32, #tpu.memory_space<hbm>>)
      tpu.yield
    }) : () -> ()
    return
  }
}

#map = affine_map<(d0, d1) -> (0)>
#map1 = affine_map<(d0, d1) -> (0, 0)>
module attributes {stable_mosaic.version = 14 : i64} {
  func.func @gather_kernel(%arg0: i32, %arg1: i32, %arg2: memref<16384xi32, #tpu.memory_space<hbm>>, %arg3: memref<327680xi32, #tpu.memory_space<hbm>>, %arg4: memref<1015808x32xf32, #tpu.memory_space<hbm>>, %arg5: memref<16384x32xf32, #tpu.memory_space<hbm>>, %arg6: memref<327680x32xf32, #tpu.memory_space<hbm>>, %arg7: memref<512xi32, #tpu.memory_space<vmem>>, %arg8: memref<512x32xf32, #tpu.memory_space<vmem>>, %arg9: memref<1024xi32, #tpu.memory_space<vmem>>, %arg10: memref<1024x32xf32, #tpu.memory_space<vmem>>, %arg11: memref<!tpu.dma_semaphore, #tpu.memory_space<semaphore_mem>>) attributes {dimension_semantics = [#tpu.dimension_semantics<core_parallel>, #tpu.dimension_semantics<subcore_parallel>], iteration_bounds = array<i64: 2, 16>, scalar_prefetch = 0 : i64, scratch_operands = 5 : i64, tpu.core_type = #tpu.core_type<sc_vector_subcore>, window_params = [{transform_indices = #map}, {transform_indices = #map}, {transform_indices = #map1}, {transform_indices = #map1}, {transform_indices = #map1}]} {
    %mul3A = arith.constant 2 : i32
    %mul3A_0 = arith.muli %arg1, %mul3A : i32
    %add3A = arith.addi %mul3A_0, %arg0 : i32
    %mul3A_1 = arith.constant 512 : i32
    %mul3A_2 = arith.muli %add3A, %mul3A_1 : i32
    %multiple_of3A = tpu.assume_multiple %mul3A_2, 8 : i32
    "tpu.region"() ({
      %run_scoped3A = tpu.sem_alloc : memref<!tpu.dma_semaphore, #tpu.memory_space<semaphore_mem>>
      %dma_start3A_117 = tpu.memref_slice %arg2[%multiple_of3A] : memref<16384xi32, #tpu.memory_space<hbm>> -> memref<512xi32, #tpu.memory_space<hbm>>
      %dma_start3A_118 = tpu.memref_slice %arg2[%multiple_of3A] : memref<16384xi32, #tpu.memory_space<hbm>> -> memref<512xi32, #tpu.memory_space<hbm>>
      tpu.enqueue_dma source(%dma_start3A_118 : memref<512xi32, #tpu.memory_space<hbm>>) target(%arg7 : memref<512xi32, #tpu.memory_space<vmem>>) target_semaphore(%run_scoped3A : memref<!tpu.dma_semaphore, #tpu.memory_space<semaphore_mem>>)
      %dma_wait3A_119 = tpu.memref_slice %arg2[%multiple_of3A] : memref<16384xi32, #tpu.memory_space<hbm>> -> memref<512xi32, #tpu.memory_space<hbm>>
      %dma_wait3A_120 = tpu.memref_slice %arg2[%multiple_of3A] : memref<16384xi32, #tpu.memory_space<hbm>> -> memref<512xi32, #tpu.memory_space<hbm>>
      tpu.wait_dma2 semaphore(%run_scoped3A : memref<!tpu.dma_semaphore, #tpu.memory_space<semaphore_mem>>) src(%dma_wait3A_120 : memref<512xi32, #tpu.memory_space<hbm>>) dst(%arg7 : memref<512xi32, #tpu.memory_space<vmem>>)
      tpu.yield
    }) : () -> ()
    %dma_start3A = arith.constant 0 : i32
    %dma_start3A_3 = arith.constant 0 : i32
    %dma_start3A_4 = tpu.memref_slice %arg4[%dma_start3A, %dma_start3A_3] : memref<1015808x32xf32, #tpu.memory_space<hbm>> -> memref<1015808x32xf32, #tpu.memory_space<hbm>>
    tpu.enqueue_indirect_dma source(%dma_start3A_4 : memref<1015808x32xf32, #tpu.memory_space<hbm>>) target(%arg8 : memref<512x32xf32, #tpu.memory_space<vmem>>) offsets(%arg7 : memref<512xi32, #tpu.memory_space<vmem>>) semaphore(%arg11 : memref<!tpu.dma_semaphore, #tpu.memory_space<semaphore_mem>>)
    %dma_wait3A = arith.constant 0 : i32
    %dma_wait3A_5 = arith.constant 0 : i32
    %dma_wait3A_6 = tpu.memref_slice %arg4[%dma_wait3A, %dma_wait3A_5] : memref<1015808x32xf32, #tpu.memory_space<hbm>> -> memref<1015808x32xf32, #tpu.memory_space<hbm>>
    tpu.wait_indirect_dma semaphore(%arg11 : memref<!tpu.dma_semaphore, #tpu.memory_space<semaphore_mem>>) src(%dma_wait3A_6 : memref<1015808x32xf32, #tpu.memory_space<hbm>>) dst(%arg8 : memref<512x32xf32, #tpu.memory_space<vmem>>)
    "tpu.region"() ({
      %run_scoped3A = tpu.sem_alloc : memref<!tpu.dma_semaphore, #tpu.memory_space<semaphore_mem>>
      %dma_start3A_117 = arith.constant 0 : i32
      %dma_start3A_118 = tpu.memref_slice %arg5[%multiple_of3A, %dma_start3A_117] : memref<16384x32xf32, #tpu.memory_space<hbm>> -> memref<512x32xf32, #tpu.memory_space<hbm>>
      %dma_start3A_119 = arith.constant 0 : i32
      %dma_start3A_120 = tpu.memref_slice %arg5[%multiple_of3A, %dma_start3A_119] : memref<16384x32xf32, #tpu.memory_space<hbm>> -> memref<512x32xf32, #tpu.memory_space<hbm>>
      tpu.enqueue_dma source(%arg8 : memref<512x32xf32, #tpu.memory_space<vmem>>) target(%dma_start3A_120 : memref<512x32xf32, #tpu.memory_space<hbm>>) target_semaphore(%run_scoped3A : memref<!tpu.dma_semaphore, #tpu.memory_space<semaphore_mem>>)
      %dma_wait3A_121 = arith.constant 0 : i32
      %dma_wait3A_122 = tpu.memref_slice %arg5[%multiple_of3A, %dma_wait3A_121] : memref<16384x32xf32, #tpu.memory_space<hbm>> -> memref<512x32xf32, #tpu.memory_space<hbm>>
      %dma_wait3A_123 = arith.constant 0 : i32
      %dma_wait3A_124 = tpu.memref_slice %arg5[%multiple_of3A, %dma_wait3A_123] : memref<16384x32xf32, #tpu.memory_space<hbm>> -> memref<512x32xf32, #tpu.memory_space<hbm>>
      tpu.wait_dma2 semaphore(%run_scoped3A : memref<!tpu.dma_semaphore, #tpu.memory_space<semaphore_mem>>) src(%arg8 : memref<512x32xf32, #tpu.memory_space<vmem>>) dst(%dma_wait3A_124 : memref<512x32xf32, #tpu.memory_space<hbm>>)
      tpu.yield
    }) : () -> ()
    %mul3A_7 = arith.constant 10240 : i32
    %mul3A_8 = arith.muli %add3A, %mul3A_7 : i32
    %add3A_9 = arith.constant 0 : i32
    %add3A_10 = arith.addi %mul3A_8, %add3A_9 : i32
    %multiple_of3A_11 = tpu.assume_multiple %add3A_10, 8 : i32
    "tpu.region"() ({
      %run_scoped3A = tpu.sem_alloc : memref<!tpu.dma_semaphore, #tpu.memory_space<semaphore_mem>>
      %dma_start3A_117 = tpu.memref_slice %arg3[%multiple_of3A_11] : memref<327680xi32, #tpu.memory_space<hbm>> -> memref<1024xi32, #tpu.memory_space<hbm>>
      %dma_start3A_118 = tpu.memref_slice %arg3[%multiple_of3A_11] : memref<327680xi32, #tpu.memory_space<hbm>> -> memref<1024xi32, #tpu.memory_space<hbm>>
      tpu.enqueue_dma source(%dma_start3A_118 : memref<1024xi32, #tpu.memory_space<hbm>>) target(%arg9 : memref<1024xi32, #tpu.memory_space<vmem>>) target_semaphore(%run_scoped3A : memref<!tpu.dma_semaphore, #tpu.memory_space<semaphore_mem>>)
      %dma_wait3A_119 = tpu.memref_slice %arg3[%multiple_of3A_11] : memref<327680xi32, #tpu.memory_space<hbm>> -> memref<1024xi32, #tpu.memory_space<hbm>>
      %dma_wait3A_120 = tpu.memref_slice %arg3[%multiple_of3A_11] : memref<327680xi32, #tpu.memory_space<hbm>> -> memref<1024xi32, #tpu.memory_space<hbm>>
      tpu.wait_dma2 semaphore(%run_scoped3A : memref<!tpu.dma_semaphore, #tpu.memory_space<semaphore_mem>>) src(%dma_wait3A_120 : memref<1024xi32, #tpu.memory_space<hbm>>) dst(%arg9 : memref<1024xi32, #tpu.memory_space<vmem>>)
      tpu.yield
    }) : () -> ()
    %dma_start3A_12 = arith.constant 0 : i32
    %dma_start3A_13 = arith.constant 0 : i32
    %dma_start3A_14 = tpu.memref_slice %arg4[%dma_start3A_12, %dma_start3A_13] : memref<1015808x32xf32, #tpu.memory_space<hbm>> -> memref<1015808x32xf32, #tpu.memory_space<hbm>>
    tpu.enqueue_indirect_dma source(%dma_start3A_14 : memref<1015808x32xf32, #tpu.memory_space<hbm>>) target(%arg10 : memref<1024x32xf32, #tpu.memory_space<vmem>>) offsets(%arg9 : memref<1024xi32, #tpu.memory_space<vmem>>) semaphore(%arg11 : memref<!tpu.dma_semaphore, #tpu.memory_space<semaphore_mem>>)
    %dma_wait3A_15 = arith.constant 0 : i32
    %dma_wait3A_16 = arith.constant 0 : i32
    %dma_wait3A_17 = tpu.memref_slice %arg4[%dma_wait3A_15, %dma_wait3A_16] : memref<1015808x32xf32, #tpu.memory_space<hbm>> -> memref<1015808x32xf32, #tpu.memory_space<hbm>>
    tpu.wait_indirect_dma semaphore(%arg11 : memref<!tpu.dma_semaphore, #tpu.memory_space<semaphore_mem>>) src(%dma_wait3A_17 : memref<1015808x32xf32, #tpu.memory_space<hbm>>) dst(%arg10 : memref<1024x32xf32, #tpu.memory_space<vmem>>)
    "tpu.region"() ({
      %run_scoped3A = tpu.sem_alloc : memref<!tpu.dma_semaphore, #tpu.memory_space<semaphore_mem>>
      %dma_start3A_117 = arith.constant 0 : i32
      %dma_start3A_118 = tpu.memref_slice %arg6[%multiple_of3A_11, %dma_start3A_117] : memref<327680x32xf32, #tpu.memory_space<hbm>> -> memref<1024x32xf32, #tpu.memory_space<hbm>>
      %dma_start3A_119 = arith.constant 0 : i32
      %dma_start3A_120 = tpu.memref_slice %arg6[%multiple_of3A_11, %dma_start3A_119] : memref<327680x32xf32, #tpu.memory_space<hbm>> -> memref<1024x32xf32, #tpu.memory_space<hbm>>
      tpu.enqueue_dma source(%arg10 : memref<1024x32xf32, #tpu.memory_space<vmem>>) target(%dma_start3A_120 : memref<1024x32xf32, #tpu.memory_space<hbm>>) target_semaphore(%run_scoped3A : memref<!tpu.dma_semaphore, #tpu.memory_space<semaphore_mem>>)
      %dma_wait3A_121 = arith.constant 0 : i32
      %dma_wait3A_122 = tpu.memref_slice %arg6[%multiple_of3A_11, %dma_wait3A_121] : memref<327680x32xf32, #tpu.memory_space<hbm>> -> memref<1024x32xf32, #tpu.memory_space<hbm>>
      %dma_wait3A_123 = arith.constant 0 : i32
      %dma_wait3A_124 = tpu.memref_slice %arg6[%multiple_of3A_11, %dma_wait3A_123] : memref<327680x32xf32, #tpu.memory_space<hbm>> -> memref<1024x32xf32, #tpu.memory_space<hbm>>
      tpu.wait_dma2 semaphore(%run_scoped3A : memref<!tpu.dma_semaphore, #tpu.memory_space<semaphore_mem>>) src(%arg10 : memref<1024x32xf32, #tpu.memory_space<vmem>>) dst(%dma_wait3A_124 : memref<1024x32xf32, #tpu.memory_space<hbm>>)
      tpu.yield
    }) : () -> ()
    %mul3A_18 = arith.constant 10240 : i32
    %mul3A_19 = arith.muli %add3A, %mul3A_18 : i32
    %add3A_20 = arith.constant 1024 : i32
    %add3A_21 = arith.addi %mul3A_19, %add3A_20 : i32
    %multiple_of3A_22 = tpu.assume_multiple %add3A_21, 8 : i32
    "tpu.region"() ({
      %run_scoped3A = tpu.sem_alloc : memref<!tpu.dma_semaphore, #tpu.memory_space<semaphore_mem>>
      %dma_start3A_117 = tpu.memref_slice %arg3[%multiple_of3A_22] : memref<327680xi32, #tpu.memory_space<hbm>> -> memref<1024xi32, #tpu.memory_space<hbm>>
      %dma_start3A_118 = tpu.memref_slice %arg3[%multiple_of3A_22] : memref<327680xi32, #tpu.memory_space<hbm>> -> memref<1024xi32, #tpu.memory_space<hbm>>
      tpu.enqueue_dma source(%dma_start3A_118 : memref<1024xi32, #tpu.memory_space<hbm>>) target(%arg9 : memref<1024xi32, #tpu.memory_space<vmem>>) target_semaphore(%run_scoped3A : memref<!tpu.dma_semaphore, #tpu.memory_space<semaphore_mem>>)
      %dma_wait3A_119 = tpu.memref_slice %arg3[%multiple_of3A_22] : memref<327680xi32, #tpu.memory_space<hbm>> -> memref<1024xi32, #tpu.memory_space<hbm>>
      %dma_wait3A_120 = tpu.memref_slice %arg3[%multiple_of3A_22] : memref<327680xi32, #tpu.memory_space<hbm>> -> memref<1024xi32, #tpu.memory_space<hbm>>
      tpu.wait_dma2 semaphore(%run_scoped3A : memref<!tpu.dma_semaphore, #tpu.memory_space<semaphore_mem>>) src(%dma_wait3A_120 : memref<1024xi32, #tpu.memory_space<hbm>>) dst(%arg9 : memref<1024xi32, #tpu.memory_space<vmem>>)
      tpu.yield
    }) : () -> ()
    %dma_start3A_23 = arith.constant 0 : i32
    %dma_start3A_24 = arith.constant 0 : i32
    %dma_start3A_25 = tpu.memref_slice %arg4[%dma_start3A_23, %dma_start3A_24] : memref<1015808x32xf32, #tpu.memory_space<hbm>> -> memref<1015808x32xf32, #tpu.memory_space<hbm>>
    tpu.enqueue_indirect_dma source(%dma_start3A_25 : memref<1015808x32xf32, #tpu.memory_space<hbm>>) target(%arg10 : memref<1024x32xf32, #tpu.memory_space<vmem>>) offsets(%arg9 : memref<1024xi32, #tpu.memory_space<vmem>>) semaphore(%arg11 : memref<!tpu.dma_semaphore, #tpu.memory_space<semaphore_mem>>)
    %dma_wait3A_26 = arith.constant 0 : i32
    %dma_wait3A_27 = arith.constant 0 : i32
    %dma_wait3A_28 = tpu.memref_slice %arg4[%dma_wait3A_26, %dma_wait3A_27] : memref<1015808x32xf32, #tpu.memory_space<hbm>> -> memref<1015808x32xf32, #tpu.memory_space<hbm>>
    tpu.wait_indirect_dma semaphore(%arg11 : memref<!tpu.dma_semaphore, #tpu.memory_space<semaphore_mem>>) src(%dma_wait3A_28 : memref<1015808x32xf32, #tpu.memory_space<hbm>>) dst(%arg10 : memref<1024x32xf32, #tpu.memory_space<vmem>>)
    "tpu.region"() ({
      %run_scoped3A = tpu.sem_alloc : memref<!tpu.dma_semaphore, #tpu.memory_space<semaphore_mem>>
      %dma_start3A_117 = arith.constant 0 : i32
      %dma_start3A_118 = tpu.memref_slice %arg6[%multiple_of3A_22, %dma_start3A_117] : memref<327680x32xf32, #tpu.memory_space<hbm>> -> memref<1024x32xf32, #tpu.memory_space<hbm>>
      %dma_start3A_119 = arith.constant 0 : i32
      %dma_start3A_120 = tpu.memref_slice %arg6[%multiple_of3A_22, %dma_start3A_119] : memref<327680x32xf32, #tpu.memory_space<hbm>> -> memref<1024x32xf32, #tpu.memory_space<hbm>>
      tpu.enqueue_dma source(%arg10 : memref<1024x32xf32, #tpu.memory_space<vmem>>) target(%dma_start3A_120 : memref<1024x32xf32, #tpu.memory_space<hbm>>) target_semaphore(%run_scoped3A : memref<!tpu.dma_semaphore, #tpu.memory_space<semaphore_mem>>)
      %dma_wait3A_121 = arith.constant 0 : i32
      %dma_wait3A_122 = tpu.memref_slice %arg6[%multiple_of3A_22, %dma_wait3A_121] : memref<327680x32xf32, #tpu.memory_space<hbm>> -> memref<1024x32xf32, #tpu.memory_space<hbm>>
      %dma_wait3A_123 = arith.constant 0 : i32
      %dma_wait3A_124 = tpu.memref_slice %arg6[%multiple_of3A_22, %dma_wait3A_123] : memref<327680x32xf32, #tpu.memory_space<hbm>> -> memref<1024x32xf32, #tpu.memory_space<hbm>>
      tpu.wait_dma2 semaphore(%run_scoped3A : memref<!tpu.dma_semaphore, #tpu.memory_space<semaphore_mem>>) src(%arg10 : memref<1024x32xf32, #tpu.memory_space<vmem>>) dst(%dma_wait3A_124 : memref<1024x32xf32, #tpu.memory_space<hbm>>)
      tpu.yield
    }) : () -> ()
    %mul3A_29 = arith.constant 10240 : i32
    %mul3A_30 = arith.muli %add3A, %mul3A_29 : i32
    %add3A_31 = arith.constant 2048 : i32
    %add3A_32 = arith.addi %mul3A_30, %add3A_31 : i32
    %multiple_of3A_33 = tpu.assume_multiple %add3A_32, 8 : i32
    "tpu.region"() ({
      %run_scoped3A = tpu.sem_alloc : memref<!tpu.dma_semaphore, #tpu.memory_space<semaphore_mem>>
      %dma_start3A_117 = tpu.memref_slice %arg3[%multiple_of3A_33] : memref<327680xi32, #tpu.memory_space<hbm>> -> memref<1024xi32, #tpu.memory_space<hbm>>
      %dma_start3A_118 = tpu.memref_slice %arg3[%multiple_of3A_33] : memref<327680xi32, #tpu.memory_space<hbm>> -> memref<1024xi32, #tpu.memory_space<hbm>>
      tpu.enqueue_dma source(%dma_start3A_118 : memref<1024xi32, #tpu.memory_space<hbm>>) target(%arg9 : memref<1024xi32, #tpu.memory_space<vmem>>) target_semaphore(%run_scoped3A : memref<!tpu.dma_semaphore, #tpu.memory_space<semaphore_mem>>)
      %dma_wait3A_119 = tpu.memref_slice %arg3[%multiple_of3A_33] : memref<327680xi32, #tpu.memory_space<hbm>> -> memref<1024xi32, #tpu.memory_space<hbm>>
      %dma_wait3A_120 = tpu.memref_slice %arg3[%multiple_of3A_33] : memref<327680xi32, #tpu.memory_space<hbm>> -> memref<1024xi32, #tpu.memory_space<hbm>>
      tpu.wait_dma2 semaphore(%run_scoped3A : memref<!tpu.dma_semaphore, #tpu.memory_space<semaphore_mem>>) src(%dma_wait3A_120 : memref<1024xi32, #tpu.memory_space<hbm>>) dst(%arg9 : memref<1024xi32, #tpu.memory_space<vmem>>)
      tpu.yield
    }) : () -> ()
    %dma_start3A_34 = arith.constant 0 : i32
    %dma_start3A_35 = arith.constant 0 : i32
    %dma_start3A_36 = tpu.memref_slice %arg4[%dma_start3A_34, %dma_start3A_35] : memref<1015808x32xf32, #tpu.memory_space<hbm>> -> memref<1015808x32xf32, #tpu.memory_space<hbm>>
    tpu.enqueue_indirect_dma source(%dma_start3A_36 : memref<1015808x32xf32, #tpu.memory_space<hbm>>) target(%arg10 : memref<1024x32xf32, #tpu.memory_space<vmem>>) offsets(%arg9 : memref<1024xi32, #tpu.memory_space<vmem>>) semaphore(%arg11 : memref<!tpu.dma_semaphore, #tpu.memory_space<semaphore_mem>>)
    %dma_wait3A_37 = arith.constant 0 : i32
    %dma_wait3A_38 = arith.constant 0 : i32
    %dma_wait3A_39 = tpu.memref_slice %arg4[%dma_wait3A_37, %dma_wait3A_38] : memref<1015808x32xf32, #tpu.memory_space<hbm>> -> memref<1015808x32xf32, #tpu.memory_space<hbm>>
    tpu.wait_indirect_dma semaphore(%arg11 : memref<!tpu.dma_semaphore, #tpu.memory_space<semaphore_mem>>) src(%dma_wait3A_39 : memref<1015808x32xf32, #tpu.memory_space<hbm>>) dst(%arg10 : memref<1024x32xf32, #tpu.memory_space<vmem>>)
    "tpu.region"() ({
      %run_scoped3A = tpu.sem_alloc : memref<!tpu.dma_semaphore, #tpu.memory_space<semaphore_mem>>
      %dma_start3A_117 = arith.constant 0 : i32
      %dma_start3A_118 = tpu.memref_slice %arg6[%multiple_of3A_33, %dma_start3A_117] : memref<327680x32xf32, #tpu.memory_space<hbm>> -> memref<1024x32xf32, #tpu.memory_space<hbm>>
      %dma_start3A_119 = arith.constant 0 : i32
      %dma_start3A_120 = tpu.memref_slice %arg6[%multiple_of3A_33, %dma_start3A_119] : memref<327680x32xf32, #tpu.memory_space<hbm>> -> memref<1024x32xf32, #tpu.memory_space<hbm>>
      tpu.enqueue_dma source(%arg10 : memref<1024x32xf32, #tpu.memory_space<vmem>>) target(%dma_start3A_120 : memref<1024x32xf32, #tpu.memory_space<hbm>>) target_semaphore(%run_scoped3A : memref<!tpu.dma_semaphore, #tpu.memory_space<semaphore_mem>>)
      %dma_wait3A_121 = arith.constant 0 : i32
      %dma_wait3A_122 = tpu.memref_slice %arg6[%multiple_of3A_33, %dma_wait3A_121] : memref<327680x32xf32, #tpu.memory_space<hbm>> -> memref<1024x32xf32, #tpu.memory_space<hbm>>
      %dma_wait3A_123 = arith.constant 0 : i32
      %dma_wait3A_124 = tpu.memref_slice %arg6[%multiple_of3A_33, %dma_wait3A_123] : memref<327680x32xf32, #tpu.memory_space<hbm>> -> memref<1024x32xf32, #tpu.memory_space<hbm>>
      tpu.wait_dma2 semaphore(%run_scoped3A : memref<!tpu.dma_semaphore, #tpu.memory_space<semaphore_mem>>) src(%arg10 : memref<1024x32xf32, #tpu.memory_space<vmem>>) dst(%dma_wait3A_124 : memref<1024x32xf32, #tpu.memory_space<hbm>>)
      tpu.yield
    }) : () -> ()
    %mul3A_40 = arith.constant 10240 : i32
    %mul3A_41 = arith.muli %add3A, %mul3A_40 : i32
    %add3A_42 = arith.constant 3072 : i32
    %add3A_43 = arith.addi %mul3A_41, %add3A_42 : i32
    %multiple_of3A_44 = tpu.assume_multiple %add3A_43, 8 : i32
    "tpu.region"() ({
      %run_scoped3A = tpu.sem_alloc : memref<!tpu.dma_semaphore, #tpu.memory_space<semaphore_mem>>
      %dma_start3A_117 = tpu.memref_slice %arg3[%multiple_of3A_44] : memref<327680xi32, #tpu.memory_space<hbm>> -> memref<1024xi32, #tpu.memory_space<hbm>>
      %dma_start3A_118 = tpu.memref_slice %arg3[%multiple_of3A_44] : memref<327680xi32, #tpu.memory_space<hbm>> -> memref<1024xi32, #tpu.memory_space<hbm>>
      tpu.enqueue_dma source(%dma_start3A_118 : memref<1024xi32, #tpu.memory_space<hbm>>) target(%arg9 : memref<1024xi32, #tpu.memory_space<vmem>>) target_semaphore(%run_scoped3A : memref<!tpu.dma_semaphore, #tpu.memory_space<semaphore_mem>>)
      %dma_wait3A_119 = tpu.memref_slice %arg3[%multiple_of3A_44] : memref<327680xi32, #tpu.memory_space<hbm>> -> memref<1024xi32, #tpu.memory_space<hbm>>
      %dma_wait3A_120 = tpu.memref_slice %arg3[%multiple_of3A_44] : memref<327680xi32, #tpu.memory_space<hbm>> -> memref<1024xi32, #tpu.memory_space<hbm>>
      tpu.wait_dma2 semaphore(%run_scoped3A : memref<!tpu.dma_semaphore, #tpu.memory_space<semaphore_mem>>) src(%dma_wait3A_120 : memref<1024xi32, #tpu.memory_space<hbm>>) dst(%arg9 : memref<1024xi32, #tpu.memory_space<vmem>>)
      tpu.yield
    }) : () -> ()
    %dma_start3A_45 = arith.constant 0 : i32
    %dma_start3A_46 = arith.constant 0 : i32
    %dma_start3A_47 = tpu.memref_slice %arg4[%dma_start3A_45, %dma_start3A_46] : memref<1015808x32xf32, #tpu.memory_space<hbm>> -> memref<1015808x32xf32, #tpu.memory_space<hbm>>
    tpu.enqueue_indirect_dma source(%dma_start3A_47 : memref<1015808x32xf32, #tpu.memory_space<hbm>>) target(%arg10 : memref<1024x32xf32, #tpu.memory_space<vmem>>) offsets(%arg9 : memref<1024xi32, #tpu.memory_space<vmem>>) semaphore(%arg11 : memref<!tpu.dma_semaphore, #tpu.memory_space<semaphore_mem>>)
    %dma_wait3A_48 = arith.constant 0 : i32
    %dma_wait3A_49 = arith.constant 0 : i32
    %dma_wait3A_50 = tpu.memref_slice %arg4[%dma_wait3A_48, %dma_wait3A_49] : memref<1015808x32xf32, #tpu.memory_space<hbm>> -> memref<1015808x32xf32, #tpu.memory_space<hbm>>
    tpu.wait_indirect_dma semaphore(%arg11 : memref<!tpu.dma_semaphore, #tpu.memory_space<semaphore_mem>>) src(%dma_wait3A_50 : memref<1015808x32xf32, #tpu.memory_space<hbm>>) dst(%arg10 : memref<1024x32xf32, #tpu.memory_space<vmem>>)
    "tpu.region"() ({
      %run_scoped3A = tpu.sem_alloc : memref<!tpu.dma_semaphore, #tpu.memory_space<semaphore_mem>>
      %dma_start3A_117 = arith.constant 0 : i32
      %dma_start3A_118 = tpu.memref_slice %arg6[%multiple_of3A_44, %dma_start3A_117] : memref<327680x32xf32, #tpu.memory_space<hbm>> -> memref<1024x32xf32, #tpu.memory_space<hbm>>
      %dma_start3A_119 = arith.constant 0 : i32
      %dma_start3A_120 = tpu.memref_slice %arg6[%multiple_of3A_44, %dma_start3A_119] : memref<327680x32xf32, #tpu.memory_space<hbm>> -> memref<1024x32xf32, #tpu.memory_space<hbm>>
      tpu.enqueue_dma source(%arg10 : memref<1024x32xf32, #tpu.memory_space<vmem>>) target(%dma_start3A_120 : memref<1024x32xf32, #tpu.memory_space<hbm>>) target_semaphore(%run_scoped3A : memref<!tpu.dma_semaphore, #tpu.memory_space<semaphore_mem>>)
      %dma_wait3A_121 = arith.constant 0 : i32
      %dma_wait3A_122 = tpu.memref_slice %arg6[%multiple_of3A_44, %dma_wait3A_121] : memref<327680x32xf32, #tpu.memory_space<hbm>> -> memref<1024x32xf32, #tpu.memory_space<hbm>>
      %dma_wait3A_123 = arith.constant 0 : i32
      %dma_wait3A_124 = tpu.memref_slice %arg6[%multiple_of3A_44, %dma_wait3A_123] : memref<327680x32xf32, #tpu.memory_space<hbm>> -> memref<1024x32xf32, #tpu.memory_space<hbm>>
      tpu.wait_dma2 semaphore(%run_scoped3A : memref<!tpu.dma_semaphore, #tpu.memory_space<semaphore_mem>>) src(%arg10 : memref<1024x32xf32, #tpu.memory_space<vmem>>) dst(%dma_wait3A_124 : memref<1024x32xf32, #tpu.memory_space<hbm>>)
      tpu.yield
    }) : () -> ()
    %mul3A_51 = arith.constant 10240 : i32
    %mul3A_52 = arith.muli %add3A, %mul3A_51 : i32
    %add3A_53 = arith.constant 4096 : i32
    %add3A_54 = arith.addi %mul3A_52, %add3A_53 : i32
    %multiple_of3A_55 = tpu.assume_multiple %add3A_54, 8 : i32
    "tpu.region"() ({
      %run_scoped3A = tpu.sem_alloc : memref<!tpu.dma_semaphore, #tpu.memory_space<semaphore_mem>>
      %dma_start3A_117 = tpu.memref_slice %arg3[%multiple_of3A_55] : memref<327680xi32, #tpu.memory_space<hbm>> -> memref<1024xi32, #tpu.memory_space<hbm>>
      %dma_start3A_118 = tpu.memref_slice %arg3[%multiple_of3A_55] : memref<327680xi32, #tpu.memory_space<hbm>> -> memref<1024xi32, #tpu.memory_space<hbm>>
      tpu.enqueue_dma source(%dma_start3A_118 : memref<1024xi32, #tpu.memory_space<hbm>>) target(%arg9 : memref<1024xi32, #tpu.memory_space<vmem>>) target_semaphore(%run_scoped3A : memref<!tpu.dma_semaphore, #tpu.memory_space<semaphore_mem>>)
      %dma_wait3A_119 = tpu.memref_slice %arg3[%multiple_of3A_55] : memref<327680xi32, #tpu.memory_space<hbm>> -> memref<1024xi32, #tpu.memory_space<hbm>>
      %dma_wait3A_120 = tpu.memref_slice %arg3[%multiple_of3A_55] : memref<327680xi32, #tpu.memory_space<hbm>> -> memref<1024xi32, #tpu.memory_space<hbm>>
      tpu.wait_dma2 semaphore(%run_scoped3A : memref<!tpu.dma_semaphore, #tpu.memory_space<semaphore_mem>>) src(%dma_wait3A_120 : memref<1024xi32, #tpu.memory_space<hbm>>) dst(%arg9 : memref<1024xi32, #tpu.memory_space<vmem>>)
      tpu.yield
    }) : () -> ()
    %dma_start3A_56 = arith.constant 0 : i32
    %dma_start3A_57 = arith.constant 0 : i32
    %dma_start3A_58 = tpu.memref_slice %arg4[%dma_start3A_56, %dma_start3A_57] : memref<1015808x32xf32, #tpu.memory_space<hbm>> -> memref<1015808x32xf32, #tpu.memory_space<hbm>>
    tpu.enqueue_indirect_dma source(%dma_start3A_58 : memref<1015808x32xf32, #tpu.memory_space<hbm>>) target(%arg10 : memref<1024x32xf32, #tpu.memory_space<vmem>>) offsets(%arg9 : memref<1024xi32, #tpu.memory_space<vmem>>) semaphore(%arg11 : memref<!tpu.dma_semaphore, #tpu.memory_space<semaphore_mem>>)
    %dma_wait3A_59 = arith.constant 0 : i32
    %dma_wait3A_60 = arith.constant 0 : i32
    %dma_wait3A_61 = tpu.memref_slice %arg4[%dma_wait3A_59, %dma_wait3A_60] : memref<1015808x32xf32, #tpu.memory_space<hbm>> -> memref<1015808x32xf32, #tpu.memory_space<hbm>>
    tpu.wait_indirect_dma semaphore(%arg11 : memref<!tpu.dma_semaphore, #tpu.memory_space<semaphore_mem>>) src(%dma_wait3A_61 : memref<1015808x32xf32, #tpu.memory_space<hbm>>) dst(%arg10 : memref<1024x32xf32, #tpu.memory_space<vmem>>)
    "tpu.region"() ({
      %run_scoped3A = tpu.sem_alloc : memref<!tpu.dma_semaphore, #tpu.memory_space<semaphore_mem>>
      %dma_start3A_117 = arith.constant 0 : i32
      %dma_start3A_118 = tpu.memref_slice %arg6[%multiple_of3A_55, %dma_start3A_117] : memref<327680x32xf32, #tpu.memory_space<hbm>> -> memref<1024x32xf32, #tpu.memory_space<hbm>>
      %dma_start3A_119 = arith.constant 0 : i32
      %dma_start3A_120 = tpu.memref_slice %arg6[%multiple_of3A_55, %dma_start3A_119] : memref<327680x32xf32, #tpu.memory_space<hbm>> -> memref<1024x32xf32, #tpu.memory_space<hbm>>
      tpu.enqueue_dma source(%arg10 : memref<1024x32xf32, #tpu.memory_space<vmem>>) target(%dma_start3A_120 : memref<1024x32xf32, #tpu.memory_space<hbm>>) target_semaphore(%run_scoped3A : memref<!tpu.dma_semaphore, #tpu.memory_space<semaphore_mem>>)
      %dma_wait3A_121 = arith.constant 0 : i32
      %dma_wait3A_122 = tpu.memref_slice %arg6[%multiple_of3A_55, %dma_wait3A_121] : memref<327680x32xf32, #tpu.memory_space<hbm>> -> memref<1024x32xf32, #tpu.memory_space<hbm>>
      %dma_wait3A_123 = arith.constant 0 : i32
      %dma_wait3A_124 = tpu.memref_slice %arg6[%multiple_of3A_55, %dma_wait3A_123] : memref<327680x32xf32, #tpu.memory_space<hbm>> -> memref<1024x32xf32, #tpu.memory_space<hbm>>
      tpu.wait_dma2 semaphore(%run_scoped3A : memref<!tpu.dma_semaphore, #tpu.memory_space<semaphore_mem>>) src(%arg10 : memref<1024x32xf32, #tpu.memory_space<vmem>>) dst(%dma_wait3A_124 : memref<1024x32xf32, #tpu.memory_space<hbm>>)
      tpu.yield
    }) : () -> ()
    %mul3A_62 = arith.constant 10240 : i32
    %mul3A_63 = arith.muli %add3A, %mul3A_62 : i32
    %add3A_64 = arith.constant 5120 : i32
    %add3A_65 = arith.addi %mul3A_63, %add3A_64 : i32
    %multiple_of3A_66 = tpu.assume_multiple %add3A_65, 8 : i32
    "tpu.region"() ({
      %run_scoped3A = tpu.sem_alloc : memref<!tpu.dma_semaphore, #tpu.memory_space<semaphore_mem>>
      %dma_start3A_117 = tpu.memref_slice %arg3[%multiple_of3A_66] : memref<327680xi32, #tpu.memory_space<hbm>> -> memref<1024xi32, #tpu.memory_space<hbm>>
      %dma_start3A_118 = tpu.memref_slice %arg3[%multiple_of3A_66] : memref<327680xi32, #tpu.memory_space<hbm>> -> memref<1024xi32, #tpu.memory_space<hbm>>
      tpu.enqueue_dma source(%dma_start3A_118 : memref<1024xi32, #tpu.memory_space<hbm>>) target(%arg9 : memref<1024xi32, #tpu.memory_space<vmem>>) target_semaphore(%run_scoped3A : memref<!tpu.dma_semaphore, #tpu.memory_space<semaphore_mem>>)
      %dma_wait3A_119 = tpu.memref_slice %arg3[%multiple_of3A_66] : memref<327680xi32, #tpu.memory_space<hbm>> -> memref<1024xi32, #tpu.memory_space<hbm>>
      %dma_wait3A_120 = tpu.memref_slice %arg3[%multiple_of3A_66] : memref<327680xi32, #tpu.memory_space<hbm>> -> memref<1024xi32, #tpu.memory_space<hbm>>
      tpu.wait_dma2 semaphore(%run_scoped3A : memref<!tpu.dma_semaphore, #tpu.memory_space<semaphore_mem>>) src(%dma_wait3A_120 : memref<1024xi32, #tpu.memory_space<hbm>>) dst(%arg9 : memref<1024xi32, #tpu.memory_space<vmem>>)
      tpu.yield
    }) : () -> ()
    %dma_start3A_67 = arith.constant 0 : i32
    %dma_start3A_68 = arith.constant 0 : i32
    %dma_start3A_69 = tpu.memref_slice %arg4[%dma_start3A_67, %dma_start3A_68] : memref<1015808x32xf32, #tpu.memory_space<hbm>> -> memref<1015808x32xf32, #tpu.memory_space<hbm>>
    tpu.enqueue_indirect_dma source(%dma_start3A_69 : memref<1015808x32xf32, #tpu.memory_space<hbm>>) target(%arg10 : memref<1024x32xf32, #tpu.memory_space<vmem>>) offsets(%arg9 : memref<1024xi32, #tpu.memory_space<vmem>>) semaphore(%arg11 : memref<!tpu.dma_semaphore, #tpu.memory_space<semaphore_mem>>)
    %dma_wait3A_70 = arith.constant 0 : i32
    %dma_wait3A_71 = arith.constant 0 : i32
    %dma_wait3A_72 = tpu.memref_slice %arg4[%dma_wait3A_70, %dma_wait3A_71] : memref<1015808x32xf32, #tpu.memory_space<hbm>> -> memref<1015808x32xf32, #tpu.memory_space<hbm>>
    tpu.wait_indirect_dma semaphore(%arg11 : memref<!tpu.dma_semaphore, #tpu.memory_space<semaphore_mem>>) src(%dma_wait3A_72 : memref<1015808x32xf32, #tpu.memory_space<hbm>>) dst(%arg10 : memref<1024x32xf32, #tpu.memory_space<vmem>>)
    "tpu.region"() ({
      %run_scoped3A = tpu.sem_alloc : memref<!tpu.dma_semaphore, #tpu.memory_space<semaphore_mem>>
      %dma_start3A_117 = arith.constant 0 : i32
      %dma_start3A_118 = tpu.memref_slice %arg6[%multiple_of3A_66, %dma_start3A_117] : memref<327680x32xf32, #tpu.memory_space<hbm>> -> memref<1024x32xf32, #tpu.memory_space<hbm>>
      %dma_start3A_119 = arith.constant 0 : i32
      %dma_start3A_120 = tpu.memref_slice %arg6[%multiple_of3A_66, %dma_start3A_119] : memref<327680x32xf32, #tpu.memory_space<hbm>> -> memref<1024x32xf32, #tpu.memory_space<hbm>>
      tpu.enqueue_dma source(%arg10 : memref<1024x32xf32, #tpu.memory_space<vmem>>) target(%dma_start3A_120 : memref<1024x32xf32, #tpu.memory_space<hbm>>) target_semaphore(%run_scoped3A : memref<!tpu.dma_semaphore, #tpu.memory_space<semaphore_mem>>)
      %dma_wait3A_121 = arith.constant 0 : i32
      %dma_wait3A_122 = tpu.memref_slice %arg6[%multiple_of3A_66, %dma_wait3A_121] : memref<327680x32xf32, #tpu.memory_space<hbm>> -> memref<1024x32xf32, #tpu.memory_space<hbm>>
      %dma_wait3A_123 = arith.constant 0 : i32
      %dma_wait3A_124 = tpu.memref_slice %arg6[%multiple_of3A_66, %dma_wait3A_123] : memref<327680x32xf32, #tpu.memory_space<hbm>> -> memref<1024x32xf32, #tpu.memory_space<hbm>>
      tpu.wait_dma2 semaphore(%run_scoped3A : memref<!tpu.dma_semaphore, #tpu.memory_space<semaphore_mem>>) src(%arg10 : memref<1024x32xf32, #tpu.memory_space<vmem>>) dst(%dma_wait3A_124 : memref<1024x32xf32, #tpu.memory_space<hbm>>)
      tpu.yield
    }) : () -> ()
    %mul3A_73 = arith.constant 10240 : i32
    %mul3A_74 = arith.muli %add3A, %mul3A_73 : i32
    %add3A_75 = arith.constant 6144 : i32
    %add3A_76 = arith.addi %mul3A_74, %add3A_75 : i32
    %multiple_of3A_77 = tpu.assume_multiple %add3A_76, 8 : i32
    "tpu.region"() ({
      %run_scoped3A = tpu.sem_alloc : memref<!tpu.dma_semaphore, #tpu.memory_space<semaphore_mem>>
      %dma_start3A_117 = tpu.memref_slice %arg3[%multiple_of3A_77] : memref<327680xi32, #tpu.memory_space<hbm>> -> memref<1024xi32, #tpu.memory_space<hbm>>
      %dma_start3A_118 = tpu.memref_slice %arg3[%multiple_of3A_77] : memref<327680xi32, #tpu.memory_space<hbm>> -> memref<1024xi32, #tpu.memory_space<hbm>>
      tpu.enqueue_dma source(%dma_start3A_118 : memref<1024xi32, #tpu.memory_space<hbm>>) target(%arg9 : memref<1024xi32, #tpu.memory_space<vmem>>) target_semaphore(%run_scoped3A : memref<!tpu.dma_semaphore, #tpu.memory_space<semaphore_mem>>)
      %dma_wait3A_119 = tpu.memref_slice %arg3[%multiple_of3A_77] : memref<327680xi32, #tpu.memory_space<hbm>> -> memref<1024xi32, #tpu.memory_space<hbm>>
      %dma_wait3A_120 = tpu.memref_slice %arg3[%multiple_of3A_77] : memref<327680xi32, #tpu.memory_space<hbm>> -> memref<1024xi32, #tpu.memory_space<hbm>>
      tpu.wait_dma2 semaphore(%run_scoped3A : memref<!tpu.dma_semaphore, #tpu.memory_space<semaphore_mem>>) src(%dma_wait3A_120 : memref<1024xi32, #tpu.memory_space<hbm>>) dst(%arg9 : memref<1024xi32, #tpu.memory_space<vmem>>)
      tpu.yield
    }) : () -> ()
    %dma_start3A_78 = arith.constant 0 : i32
    %dma_start3A_79 = arith.constant 0 : i32
    %dma_start3A_80 = tpu.memref_slice %arg4[%dma_start3A_78, %dma_start3A_79] : memref<1015808x32xf32, #tpu.memory_space<hbm>> -> memref<1015808x32xf32, #tpu.memory_space<hbm>>
    tpu.enqueue_indirect_dma source(%dma_start3A_80 : memref<1015808x32xf32, #tpu.memory_space<hbm>>) target(%arg10 : memref<1024x32xf32, #tpu.memory_space<vmem>>) offsets(%arg9 : memref<1024xi32, #tpu.memory_space<vmem>>) semaphore(%arg11 : memref<!tpu.dma_semaphore, #tpu.memory_space<semaphore_mem>>)
    %dma_wait3A_81 = arith.constant 0 : i32
    %dma_wait3A_82 = arith.constant 0 : i32
    %dma_wait3A_83 = tpu.memref_slice %arg4[%dma_wait3A_81, %dma_wait3A_82] : memref<1015808x32xf32, #tpu.memory_space<hbm>> -> memref<1015808x32xf32, #tpu.memory_space<hbm>>
    tpu.wait_indirect_dma semaphore(%arg11 : memref<!tpu.dma_semaphore, #tpu.memory_space<semaphore_mem>>) src(%dma_wait3A_83 : memref<1015808x32xf32, #tpu.memory_space<hbm>>) dst(%arg10 : memref<1024x32xf32, #tpu.memory_space<vmem>>)
    "tpu.region"() ({
      %run_scoped3A = tpu.sem_alloc : memref<!tpu.dma_semaphore, #tpu.memory_space<semaphore_mem>>
      %dma_start3A_117 = arith.constant 0 : i32
      %dma_start3A_118 = tpu.memref_slice %arg6[%multiple_of3A_77, %dma_start3A_117] : memref<327680x32xf32, #tpu.memory_space<hbm>> -> memref<1024x32xf32, #tpu.memory_space<hbm>>
      %dma_start3A_119 = arith.constant 0 : i32
      %dma_start3A_120 = tpu.memref_slice %arg6[%multiple_of3A_77, %dma_start3A_119] : memref<327680x32xf32, #tpu.memory_space<hbm>> -> memref<1024x32xf32, #tpu.memory_space<hbm>>
      tpu.enqueue_dma source(%arg10 : memref<1024x32xf32, #tpu.memory_space<vmem>>) target(%dma_start3A_120 : memref<1024x32xf32, #tpu.memory_space<hbm>>) target_semaphore(%run_scoped3A : memref<!tpu.dma_semaphore, #tpu.memory_space<semaphore_mem>>)
      %dma_wait3A_121 = arith.constant 0 : i32
      %dma_wait3A_122 = tpu.memref_slice %arg6[%multiple_of3A_77, %dma_wait3A_121] : memref<327680x32xf32, #tpu.memory_space<hbm>> -> memref<1024x32xf32, #tpu.memory_space<hbm>>
      %dma_wait3A_123 = arith.constant 0 : i32
      %dma_wait3A_124 = tpu.memref_slice %arg6[%multiple_of3A_77, %dma_wait3A_123] : memref<327680x32xf32, #tpu.memory_space<hbm>> -> memref<1024x32xf32, #tpu.memory_space<hbm>>
      tpu.wait_dma2 semaphore(%run_scoped3A : memref<!tpu.dma_semaphore, #tpu.memory_space<semaphore_mem>>) src(%arg10 : memref<1024x32xf32, #tpu.memory_space<vmem>>) dst(%dma_wait3A_124 : memref<1024x32xf32, #tpu.memory_space<hbm>>)
      tpu.yield
    }) : () -> ()
    %mul3A_84 = arith.constant 10240 : i32
    %mul3A_85 = arith.muli %add3A, %mul3A_84 : i32
    %add3A_86 = arith.constant 7168 : i32
    %add3A_87 = arith.addi %mul3A_85, %add3A_86 : i32
    %multiple_of3A_88 = tpu.assume_multiple %add3A_87, 8 : i32
    "tpu.region"() ({
      %run_scoped3A = tpu.sem_alloc : memref<!tpu.dma_semaphore, #tpu.memory_space<semaphore_mem>>
      %dma_start3A_117 = tpu.memref_slice %arg3[%multiple_of3A_88] : memref<327680xi32, #tpu.memory_space<hbm>> -> memref<1024xi32, #tpu.memory_space<hbm>>
      %dma_start3A_118 = tpu.memref_slice %arg3[%multiple_of3A_88] : memref<327680xi32, #tpu.memory_space<hbm>> -> memref<1024xi32, #tpu.memory_space<hbm>>
      tpu.enqueue_dma source(%dma_start3A_118 : memref<1024xi32, #tpu.memory_space<hbm>>) target(%arg9 : memref<1024xi32, #tpu.memory_space<vmem>>) target_semaphore(%run_scoped3A : memref<!tpu.dma_semaphore, #tpu.memory_space<semaphore_mem>>)
      %dma_wait3A_119 = tpu.memref_slice %arg3[%multiple_of3A_88] : memref<327680xi32, #tpu.memory_space<hbm>> -> memref<1024xi32, #tpu.memory_space<hbm>>
      %dma_wait3A_120 = tpu.memref_slice %arg3[%multiple_of3A_88] : memref<327680xi32, #tpu.memory_space<hbm>> -> memref<1024xi32, #tpu.memory_space<hbm>>
      tpu.wait_dma2 semaphore(%run_scoped3A : memref<!tpu.dma_semaphore, #tpu.memory_space<semaphore_mem>>) src(%dma_wait3A_120 : memref<1024xi32, #tpu.memory_space<hbm>>) dst(%arg9 : memref<1024xi32, #tpu.memory_space<vmem>>)
      tpu.yield
    }) : () -> ()
    %dma_start3A_89 = arith.constant 0 : i32
    %dma_start3A_90 = arith.constant 0 : i32
    %dma_start3A_91 = tpu.memref_slice %arg4[%dma_start3A_89, %dma_start3A_90] : memref<1015808x32xf32, #tpu.memory_space<hbm>> -> memref<1015808x32xf32, #tpu.memory_space<hbm>>
    tpu.enqueue_indirect_dma source(%dma_start3A_91 : memref<1015808x32xf32, #tpu.memory_space<hbm>>) target(%arg10 : memref<1024x32xf32, #tpu.memory_space<vmem>>) offsets(%arg9 : memref<1024xi32, #tpu.memory_space<vmem>>) semaphore(%arg11 : memref<!tpu.dma_semaphore, #tpu.memory_space<semaphore_mem>>)
    %dma_wait3A_92 = arith.constant 0 : i32
    %dma_wait3A_93 = arith.constant 0 : i32
    %dma_wait3A_94 = tpu.memref_slice %arg4[%dma_wait3A_92, %dma_wait3A_93] : memref<1015808x32xf32, #tpu.memory_space<hbm>> -> memref<1015808x32xf32, #tpu.memory_space<hbm>>
    tpu.wait_indirect_dma semaphore(%arg11 : memref<!tpu.dma_semaphore, #tpu.memory_space<semaphore_mem>>) src(%dma_wait3A_94 : memref<1015808x32xf32, #tpu.memory_space<hbm>>) dst(%arg10 : memref<1024x32xf32, #tpu.memory_space<vmem>>)
    "tpu.region"() ({
      %run_scoped3A = tpu.sem_alloc : memref<!tpu.dma_semaphore, #tpu.memory_space<semaphore_mem>>
      %dma_start3A_117 = arith.constant 0 : i32
      %dma_start3A_118 = tpu.memref_slice %arg6[%multiple_of3A_88, %dma_start3A_117] : memref<327680x32xf32, #tpu.memory_space<hbm>> -> memref<1024x32xf32, #tpu.memory_space<hbm>>
      %dma_start3A_119 = arith.constant 0 : i32
      %dma_start3A_120 = tpu.memref_slice %arg6[%multiple_of3A_88, %dma_start3A_119] : memref<327680x32xf32, #tpu.memory_space<hbm>> -> memref<1024x32xf32, #tpu.memory_space<hbm>>
      tpu.enqueue_dma source(%arg10 : memref<1024x32xf32, #tpu.memory_space<vmem>>) target(%dma_start3A_120 : memref<1024x32xf32, #tpu.memory_space<hbm>>) target_semaphore(%run_scoped3A : memref<!tpu.dma_semaphore, #tpu.memory_space<semaphore_mem>>)
      %dma_wait3A_121 = arith.constant 0 : i32
      %dma_wait3A_122 = tpu.memref_slice %arg6[%multiple_of3A_88, %dma_wait3A_121] : memref<327680x32xf32, #tpu.memory_space<hbm>> -> memref<1024x32xf32, #tpu.memory_space<hbm>>
      %dma_wait3A_123 = arith.constant 0 : i32
      %dma_wait3A_124 = tpu.memref_slice %arg6[%multiple_of3A_88, %dma_wait3A_123] : memref<327680x32xf32, #tpu.memory_space<hbm>> -> memref<1024x32xf32, #tpu.memory_space<hbm>>
      tpu.wait_dma2 semaphore(%run_scoped3A : memref<!tpu.dma_semaphore, #tpu.memory_space<semaphore_mem>>) src(%arg10 : memref<1024x32xf32, #tpu.memory_space<vmem>>) dst(%dma_wait3A_124 : memref<1024x32xf32, #tpu.memory_space<hbm>>)
      tpu.yield
    }) : () -> ()
    %mul3A_95 = arith.constant 10240 : i32
    %mul3A_96 = arith.muli %add3A, %mul3A_95 : i32
    %add3A_97 = arith.constant 8192 : i32
    %add3A_98 = arith.addi %mul3A_96, %add3A_97 : i32
    %multiple_of3A_99 = tpu.assume_multiple %add3A_98, 8 : i32
    "tpu.region"() ({
      %run_scoped3A = tpu.sem_alloc : memref<!tpu.dma_semaphore, #tpu.memory_space<semaphore_mem>>
      %dma_start3A_117 = tpu.memref_slice %arg3[%multiple_of3A_99] : memref<327680xi32, #tpu.memory_space<hbm>> -> memref<1024xi32, #tpu.memory_space<hbm>>
      %dma_start3A_118 = tpu.memref_slice %arg3[%multiple_of3A_99] : memref<327680xi32, #tpu.memory_space<hbm>> -> memref<1024xi32, #tpu.memory_space<hbm>>
      tpu.enqueue_dma source(%dma_start3A_118 : memref<1024xi32, #tpu.memory_space<hbm>>) target(%arg9 : memref<1024xi32, #tpu.memory_space<vmem>>) target_semaphore(%run_scoped3A : memref<!tpu.dma_semaphore, #tpu.memory_space<semaphore_mem>>)
      %dma_wait3A_119 = tpu.memref_slice %arg3[%multiple_of3A_99] : memref<327680xi32, #tpu.memory_space<hbm>> -> memref<1024xi32, #tpu.memory_space<hbm>>
      %dma_wait3A_120 = tpu.memref_slice %arg3[%multiple_of3A_99] : memref<327680xi32, #tpu.memory_space<hbm>> -> memref<1024xi32, #tpu.memory_space<hbm>>
      tpu.wait_dma2 semaphore(%run_scoped3A : memref<!tpu.dma_semaphore, #tpu.memory_space<semaphore_mem>>) src(%dma_wait3A_120 : memref<1024xi32, #tpu.memory_space<hbm>>) dst(%arg9 : memref<1024xi32, #tpu.memory_space<vmem>>)
      tpu.yield
    }) : () -> ()
    %dma_start3A_100 = arith.constant 0 : i32
    %dma_start3A_101 = arith.constant 0 : i32
    %dma_start3A_102 = tpu.memref_slice %arg4[%dma_start3A_100, %dma_start3A_101] : memref<1015808x32xf32, #tpu.memory_space<hbm>> -> memref<1015808x32xf32, #tpu.memory_space<hbm>>
    tpu.enqueue_indirect_dma source(%dma_start3A_102 : memref<1015808x32xf32, #tpu.memory_space<hbm>>) target(%arg10 : memref<1024x32xf32, #tpu.memory_space<vmem>>) offsets(%arg9 : memref<1024xi32, #tpu.memory_space<vmem>>) semaphore(%arg11 : memref<!tpu.dma_semaphore, #tpu.memory_space<semaphore_mem>>)
    %dma_wait3A_103 = arith.constant 0 : i32
    %dma_wait3A_104 = arith.constant 0 : i32
    %dma_wait3A_105 = tpu.memref_slice %arg4[%dma_wait3A_103, %dma_wait3A_104] : memref<1015808x32xf32, #tpu.memory_space<hbm>> -> memref<1015808x32xf32, #tpu.memory_space<hbm>>
    tpu.wait_indirect_dma semaphore(%arg11 : memref<!tpu.dma_semaphore, #tpu.memory_space<semaphore_mem>>) src(%dma_wait3A_105 : memref<1015808x32xf32, #tpu.memory_space<hbm>>) dst(%arg10 : memref<1024x32xf32, #tpu.memory_space<vmem>>)
    "tpu.region"() ({
      %run_scoped3A = tpu.sem_alloc : memref<!tpu.dma_semaphore, #tpu.memory_space<semaphore_mem>>
      %dma_start3A_117 = arith.constant 0 : i32
      %dma_start3A_118 = tpu.memref_slice %arg6[%multiple_of3A_99, %dma_start3A_117] : memref<327680x32xf32, #tpu.memory_space<hbm>> -> memref<1024x32xf32, #tpu.memory_space<hbm>>
      %dma_start3A_119 = arith.constant 0 : i32
      %dma_start3A_120 = tpu.memref_slice %arg6[%multiple_of3A_99, %dma_start3A_119] : memref<327680x32xf32, #tpu.memory_space<hbm>> -> memref<1024x32xf32, #tpu.memory_space<hbm>>
      tpu.enqueue_dma source(%arg10 : memref<1024x32xf32, #tpu.memory_space<vmem>>) target(%dma_start3A_120 : memref<1024x32xf32, #tpu.memory_space<hbm>>) target_semaphore(%run_scoped3A : memref<!tpu.dma_semaphore, #tpu.memory_space<semaphore_mem>>)
      %dma_wait3A_121 = arith.constant 0 : i32
      %dma_wait3A_122 = tpu.memref_slice %arg6[%multiple_of3A_99, %dma_wait3A_121] : memref<327680x32xf32, #tpu.memory_space<hbm>> -> memref<1024x32xf32, #tpu.memory_space<hbm>>
      %dma_wait3A_123 = arith.constant 0 : i32
      %dma_wait3A_124 = tpu.memref_slice %arg6[%multiple_of3A_99, %dma_wait3A_123] : memref<327680x32xf32, #tpu.memory_space<hbm>> -> memref<1024x32xf32, #tpu.memory_space<hbm>>
      tpu.wait_dma2 semaphore(%run_scoped3A : memref<!tpu.dma_semaphore, #tpu.memory_space<semaphore_mem>>) src(%arg10 : memref<1024x32xf32, #tpu.memory_space<vmem>>) dst(%dma_wait3A_124 : memref<1024x32xf32, #tpu.memory_space<hbm>>)
      tpu.yield
    }) : () -> ()
    %mul3A_106 = arith.constant 10240 : i32
    %mul3A_107 = arith.muli %add3A, %mul3A_106 : i32
    %add3A_108 = arith.constant 9216 : i32
    %add3A_109 = arith.addi %mul3A_107, %add3A_108 : i32
    %multiple_of3A_110 = tpu.assume_multiple %add3A_109, 8 : i32
    "tpu.region"() ({
      %run_scoped3A = tpu.sem_alloc : memref<!tpu.dma_semaphore, #tpu.memory_space<semaphore_mem>>
      %dma_start3A_117 = tpu.memref_slice %arg3[%multiple_of3A_110] : memref<327680xi32, #tpu.memory_space<hbm>> -> memref<1024xi32, #tpu.memory_space<hbm>>
      %dma_start3A_118 = tpu.memref_slice %arg3[%multiple_of3A_110] : memref<327680xi32, #tpu.memory_space<hbm>> -> memref<1024xi32, #tpu.memory_space<hbm>>
      tpu.enqueue_dma source(%dma_start3A_118 : memref<1024xi32, #tpu.memory_space<hbm>>) target(%arg9 : memref<1024xi32, #tpu.memory_space<vmem>>) target_semaphore(%run_scoped3A : memref<!tpu.dma_semaphore, #tpu.memory_space<semaphore_mem>>)
      %dma_wait3A_119 = tpu.memref_slice %arg3[%multiple_of3A_110] : memref<327680xi32, #tpu.memory_space<hbm>> -> memref<1024xi32, #tpu.memory_space<hbm>>
      %dma_wait3A_120 = tpu.memref_slice %arg3[%multiple_of3A_110] : memref<327680xi32, #tpu.memory_space<hbm>> -> memref<1024xi32, #tpu.memory_space<hbm>>
      tpu.wait_dma2 semaphore(%run_scoped3A : memref<!tpu.dma_semaphore, #tpu.memory_space<semaphore_mem>>) src(%dma_wait3A_120 : memref<1024xi32, #tpu.memory_space<hbm>>) dst(%arg9 : memref<1024xi32, #tpu.memory_space<vmem>>)
      tpu.yield
    }) : () -> ()
    %dma_start3A_111 = arith.constant 0 : i32
    %dma_start3A_112 = arith.constant 0 : i32
    %dma_start3A_113 = tpu.memref_slice %arg4[%dma_start3A_111, %dma_start3A_112] : memref<1015808x32xf32, #tpu.memory_space<hbm>> -> memref<1015808x32xf32, #tpu.memory_space<hbm>>
    tpu.enqueue_indirect_dma source(%dma_start3A_113 : memref<1015808x32xf32, #tpu.memory_space<hbm>>) target(%arg10 : memref<1024x32xf32, #tpu.memory_space<vmem>>) offsets(%arg9 : memref<1024xi32, #tpu.memory_space<vmem>>) semaphore(%arg11 : memref<!tpu.dma_semaphore, #tpu.memory_space<semaphore_mem>>)
    %dma_wait3A_114 = arith.constant 0 : i32
    %dma_wait3A_115 = arith.constant 0 : i32
    %dma_wait3A_116 = tpu.memref_slice %arg4[%dma_wait3A_114, %dma_wait3A_115] : memref<1015808x32xf32, #tpu.memory_space<hbm>> -> memref<1015808x32xf32, #tpu.memory_space<hbm>>
    tpu.wait_indirect_dma semaphore(%arg11 : memref<!tpu.dma_semaphore, #tpu.memory_space<semaphore_mem>>) src(%dma_wait3A_116 : memref<1015808x32xf32, #tpu.memory_space<hbm>>) dst(%arg10 : memref<1024x32xf32, #tpu.memory_space<vmem>>)
    "tpu.region"() ({
      %run_scoped3A = tpu.sem_alloc : memref<!tpu.dma_semaphore, #tpu.memory_space<semaphore_mem>>
      %dma_start3A_117 = arith.constant 0 : i32
      %dma_start3A_118 = tpu.memref_slice %arg6[%multiple_of3A_110, %dma_start3A_117] : memref<327680x32xf32, #tpu.memory_space<hbm>> -> memref<1024x32xf32, #tpu.memory_space<hbm>>
      %dma_start3A_119 = arith.constant 0 : i32
      %dma_start3A_120 = tpu.memref_slice %arg6[%multiple_of3A_110, %dma_start3A_119] : memref<327680x32xf32, #tpu.memory_space<hbm>> -> memref<1024x32xf32, #tpu.memory_space<hbm>>
      tpu.enqueue_dma source(%arg10 : memref<1024x32xf32, #tpu.memory_space<vmem>>) target(%dma_start3A_120 : memref<1024x32xf32, #tpu.memory_space<hbm>>) target_semaphore(%run_scoped3A : memref<!tpu.dma_semaphore, #tpu.memory_space<semaphore_mem>>)
      %dma_wait3A_121 = arith.constant 0 : i32
      %dma_wait3A_122 = tpu.memref_slice %arg6[%multiple_of3A_110, %dma_wait3A_121] : memref<327680x32xf32, #tpu.memory_space<hbm>> -> memref<1024x32xf32, #tpu.memory_space<hbm>>
      %dma_wait3A_123 = arith.constant 0 : i32
      %dma_wait3A_124 = tpu.memref_slice %arg6[%multiple_of3A_110, %dma_wait3A_123] : memref<327680x32xf32, #tpu.memory_space<hbm>> -> memref<1024x32xf32, #tpu.memory_space<hbm>>
      tpu.wait_dma2 semaphore(%run_scoped3A : memref<!tpu.dma_semaphore, #tpu.memory_space<semaphore_mem>>) src(%arg10 : memref<1024x32xf32, #tpu.memory_space<vmem>>) dst(%dma_wait3A_124 : memref<1024x32xf32, #tpu.memory_space<hbm>>)
      tpu.yield
    }) : () -> ()
    return
  }
}

module attributes {stable_mosaic.version = 14 : i64} {
  func.func @body(%arg0: i32, %arg1: memref<32x32768xf32, #tpu.memory_space<vmem>>, %arg2: memref<8192x128xf32, #tpu.memory_space<vmem>>) attributes {dimension_semantics = [#tpu.dimension_semantics<arbitrary>], iteration_bounds = array<i64: 31>, scalar_prefetch = 0 : i64, scratch_operands = 0 : i64, tpu.core_type = #tpu.core_type<tc>, window_params = [{transform_indices = @transform_0, window_bounds = array<i64: 32, 32768>}, {transform_indices = @transform_1, window_bounds = array<i64: 8192, 128>}]} {
    %iota3A = tpu.iota {dimensions = array<i32: 0>} : vector<32x32xi32>
    %iota3A_0 = tpu.iota {dimensions = array<i32: 1>} : vector<32x32xi32>
    %add3A = arith.constant 0 : i32
    %add3A_1 = vector.broadcast %add3A : i32 to vector<32x32xi32>
    %add3A_2 = arith.addi %iota3A, %add3A_1 : vector<32x32xi32>
    %eq3A = arith.cmpi eq, %add3A_2, %iota3A_0 : vector<32x32xi32>
    %convert_element_type3A = arith.extui %eq3A : vector<32x32xi1> to vector<32x32xi32>
    %convert_element_type3A_3 = arith.sitofp %convert_element_type3A : vector<32x32xi32> to vector<32x32xf32>
    %get3A = arith.constant 0 : index
    %get3A_4 = arith.constant 0 : index
    %get3A_5 = vector.load %arg1[%get3A, %get3A_4] : memref<32x32768xf32, #tpu.memory_space<vmem>>, vector<32x32768xf32>
    %dot_general3A = arith.constant dense<0.000000e+00> : vector<32768x32xf32>
    %dot_general3A_6 = tpu.matmul %get3A_5, %convert_element_type3A_3, %dot_general3A {dimension_numbers = #tpu.dot_dimension_numbers<[0], [0], [1], [1], [0, 1, 1, 1], [], []>, transpose_lhs_hint = false} : vector<32x32768xf32>, vector<32x32xf32>, vector<32768x32xf32> -> vector<32768x32xf32>
    %iota3A_7 = tpu.iota {dimensions = array<i32: 0>} : vector<32x128xi32>
    %iota3A_8 = tpu.iota {dimensions = array<i32: 1>} : vector<32x128xi32>
    %broadcast_in_dim3A = arith.constant 0.000000e+00 : f32
    %broadcast_in_dim3A_9 = vector.broadcast %broadcast_in_dim3A : f32 to vector<8192x128xf32>
    %add3A_10 = arith.constant 0 : i32
    %add3A_11 = vector.broadcast %add3A_10 : i32 to vector<32x128xi32>
    %add3A_12 = arith.addi %add3A_11, %iota3A_7 : vector<32x128xi32>
    %eq3A_13 = arith.cmpi eq, %iota3A_8, %add3A_12 : vector<32x128xi32>
    %convert_element_type3A_14 = arith.extui %eq3A_13 : vector<32x128xi1> to vector<32x128xi32>
    %convert_element_type3A_15 = arith.sitofp %convert_element_type3A_14 : vector<32x128xi32> to vector<32x128xf32>
    %slice3A = vector.extract_strided_slice %dot_general3A_6 {offsets = [0, 0], sizes = [8192, 32], strides = [1, 1]} : vector<32768x32xf32> to vector<8192x32xf32>
    %dot_general3A_16 = arith.constant dense<0.000000e+00> : vector<8192x128xf32>
    %dot_general3A_17 = tpu.matmul %slice3A, %convert_element_type3A_15, %dot_general3A_16 {dimension_numbers = #tpu.dot_dimension_numbers<[1], [0], [0], [1], [0, 0, 1, 1], [], []>, transpose_lhs_hint = false} : vector<8192x32xf32>, vector<32x128xf32>, vector<8192x128xf32> -> vector<8192x128xf32>
    %add3A_18 = arith.addf %broadcast_in_dim3A_9, %dot_general3A_17 : vector<8192x128xf32>
    %add3A_19 = arith.constant 32 : i32
    %add3A_20 = vector.broadcast %add3A_19 : i32 to vector<32x128xi32>
    %add3A_21 = arith.addi %add3A_20, %iota3A_7 : vector<32x128xi32>
    %eq3A_22 = arith.cmpi eq, %iota3A_8, %add3A_21 : vector<32x128xi32>
    %convert_element_type3A_23 = arith.extui %eq3A_22 : vector<32x128xi1> to vector<32x128xi32>
    %convert_element_type3A_24 = arith.sitofp %convert_element_type3A_23 : vector<32x128xi32> to vector<32x128xf32>
    %slice3A_25 = vector.extract_strided_slice %dot_general3A_6 {offsets = [8192, 0], sizes = [8192, 32], strides = [1, 1]} : vector<32768x32xf32> to vector<8192x32xf32>
    %dot_general3A_26 = arith.constant dense<0.000000e+00> : vector<8192x128xf32>
    %dot_general3A_27 = tpu.matmul %slice3A_25, %convert_element_type3A_24, %dot_general3A_26 {dimension_numbers = #tpu.dot_dimension_numbers<[1], [0], [0], [1], [0, 0, 1, 1], [], []>, transpose_lhs_hint = false} : vector<8192x32xf32>, vector<32x128xf32>, vector<8192x128xf32> -> vector<8192x128xf32>
    %add3A_28 = arith.addf %add3A_18, %dot_general3A_27 : vector<8192x128xf32>
    %add3A_29 = arith.constant 64 : i32
    %add3A_30 = vector.broadcast %add3A_29 : i32 to vector<32x128xi32>
    %add3A_31 = arith.addi %add3A_30, %iota3A_7 : vector<32x128xi32>
    %eq3A_32 = arith.cmpi eq, %iota3A_8, %add3A_31 : vector<32x128xi32>
    %convert_element_type3A_33 = arith.extui %eq3A_32 : vector<32x128xi1> to vector<32x128xi32>
    %convert_element_type3A_34 = arith.sitofp %convert_element_type3A_33 : vector<32x128xi32> to vector<32x128xf32>
    %slice3A_35 = vector.extract_strided_slice %dot_general3A_6 {offsets = [16384, 0], sizes = [8192, 32], strides = [1, 1]} : vector<32768x32xf32> to vector<8192x32xf32>
    %dot_general3A_36 = arith.constant dense<0.000000e+00> : vector<8192x128xf32>
    %dot_general3A_37 = tpu.matmul %slice3A_35, %convert_element_type3A_34, %dot_general3A_36 {dimension_numbers = #tpu.dot_dimension_numbers<[1], [0], [0], [1], [0, 0, 1, 1], [], []>, transpose_lhs_hint = false} : vector<8192x32xf32>, vector<32x128xf32>, vector<8192x128xf32> -> vector<8192x128xf32>
    %add3A_38 = arith.addf %add3A_28, %dot_general3A_37 : vector<8192x128xf32>
    %add3A_39 = arith.constant 96 : i32
    %add3A_40 = vector.broadcast %add3A_39 : i32 to vector<32x128xi32>
    %add3A_41 = arith.addi %add3A_40, %iota3A_7 : vector<32x128xi32>
    %eq3A_42 = arith.cmpi eq, %iota3A_8, %add3A_41 : vector<32x128xi32>
    %convert_element_type3A_43 = arith.extui %eq3A_42 : vector<32x128xi1> to vector<32x128xi32>
    %convert_element_type3A_44 = arith.sitofp %convert_element_type3A_43 : vector<32x128xi32> to vector<32x128xf32>
    %slice3A_45 = vector.extract_strided_slice %dot_general3A_6 {offsets = [24576, 0], sizes = [8192, 32], strides = [1, 1]} : vector<32768x32xf32> to vector<8192x32xf32>
    %dot_general3A_46 = arith.constant dense<0.000000e+00> : vector<8192x128xf32>
    %dot_general3A_47 = tpu.matmul %slice3A_45, %convert_element_type3A_44, %dot_general3A_46 {dimension_numbers = #tpu.dot_dimension_numbers<[1], [0], [0], [1], [0, 0, 1, 1], [], []>, transpose_lhs_hint = false} : vector<8192x32xf32>, vector<32x128xf32>, vector<8192x128xf32> -> vector<8192x128xf32>
    %add3A_48 = arith.addf %add3A_38, %dot_general3A_47 : vector<8192x128xf32>
    %swap3A = arith.constant 0 : index
    %swap3A_49 = arith.constant 0 : index
    %swap3A_50 = vector.load %arg2[%swap3A, %swap3A_49] : memref<8192x128xf32, #tpu.memory_space<vmem>>, vector<8192x128xf32>
    tpu.vector_store %arg2[%swap3A, %swap3A_49], %add3A_48 {strides = array<i32>} : memref<8192x128xf32, #tpu.memory_space<vmem>>, vector<8192x128xf32>,
    return
  }
  func.func @transform_0(%arg0: i32) -> (i32, i32) {
    %c0_i32 = arith.constant 0 : i32
    %c0_i32_0 = arith.constant 0 : i32
    return %c0_i32, %arg0 : i32, i32
  }
  func.func @transform_1(%arg0: i32) -> (i32, i32) {
    %c0_i32 = arith.constant 0 : i32
    %c0_i32_0 = arith.constant 0 : i32
    return %arg0, %c0_i32 : i32, i32
  }
}

module attributes {stable_mosaic.version = 14 : i64} {
  func.func @body(%arg0: i32, %arg1: memref<512x32xf32, #tpu.memory_space<vmem>>, %arg2: memref<512x32xf32, #tpu.memory_space<vmem>>, %arg3: memref<512x640xf32, #tpu.memory_space<vmem>>, %arg4: memref<1x1xf32, #tpu.memory_space<vmem>>) attributes {dimension_semantics = [#tpu.dimension_semantics<arbitrary>], iteration_bounds = array<i64: 32>, scalar_prefetch = 0 : i64, scratch_operands = 0 : i64, tpu.core_type = #tpu.core_type<tc>, window_params = [{transform_indices = @transform_0, window_bounds = array<i64: 512, 32>}, {transform_indices = @transform_1, window_bounds = array<i64: 512, 32>}, {transform_indices = @transform_2, window_bounds = array<i64: 512, 640>}, {pipeline_mode = #tpu.pipeline_mode<synchronous>, transform_indices = @transform_3, window_bounds = array<i64: 1, 1>}]} {
    %eq3A = arith.constant 0 : i32
    %eq3A_0 = arith.cmpi eq, %arg0, %eq3A : i32
    %convert_element_type3A = arith.extui %eq3A_0 : i1 to i32
    %cond3A = arith.constant 0 : i32
    %cond3A_1 = arith.cmpi ne, %convert_element_type3A, %cond3A : i32
    scf.if %cond3A_1 {
      %broadcast_in_dim3A_63 = arith.constant 0.000000e+00 : f32
      %broadcast_in_dim3A_64 = vector.broadcast %broadcast_in_dim3A_63 : f32 to vector<1x1xf32>
      %swap3A_65 = arith.constant 0 : index
      %swap3A_66 = arith.constant 0 : index
      %swap3A_67 = vector.load %arg4[%swap3A_65, %swap3A_66] : memref<1x1xf32, #tpu.memory_space<vmem>>, vector<1x1xf32>
      tpu.vector_store %arg4[%swap3A_65, %swap3A_66], %broadcast_in_dim3A_64 {strides = array<i32>} : memref<1x1xf32, #tpu.memory_space<vmem>>, vector<1x1xf32>,
    } else {
    }
    %get3A = arith.constant 0 : index
    %get3A_2 = arith.constant 0 : index
    %get3A_3 = vector.load %arg1[%get3A, %get3A_2] : memref<512x32xf32, #tpu.memory_space<vmem>>, vector<512x32xf32>
    %get3A_4 = arith.constant 0 : index
    %get3A_5 = arith.constant 0 : index
    %get3A_6 = vector.load %arg2[%get3A_4, %get3A_5] : memref<512x32xf32, #tpu.memory_space<vmem>>, vector<512x32xf32>
    %mul3A = arith.mulf %get3A_3, %get3A_6 : vector<512x32xf32>
    %broadcast_in_dim3A = arith.constant 1.000000e+00 : f32
    %broadcast_in_dim3A_7 = vector.broadcast %broadcast_in_dim3A : f32 to vector<32x1xf32>
    %dot_general3A = arith.constant dense<0.000000e+00> : vector<512x1xf32>
    %dot_general3A_8 = tpu.matmul %mul3A, %broadcast_in_dim3A_7, %dot_general3A {dimension_numbers = #tpu.dot_dimension_numbers<[1], [0], [0], [1], [0, 0, 1, 1], [], []>, transpose_lhs_hint = false} : vector<512x32xf32>, vector<32x1xf32>, vector<512x1xf32> -> vector<512x1xf32>
    %concatenate3A = tpu.concatenate %get3A_3, %get3A_3, %get3A_3, %get3A_3, %get3A_3, %get3A_3, %get3A_3, %get3A_3, %get3A_3, %get3A_3, %get3A_3, %get3A_3, %get3A_3, %get3A_3, %get3A_3, %get3A_3, %get3A_3, %get3A_3, %get3A_3, %get3A_3 in 1 : vector<512x32xf32>, vector<512x32xf32>, vector<512x32xf32>, vector<512x32xf32>, vector<512x32xf32>, vector<512x32xf32>, vector<512x32xf32>, vector<512x32xf32>, vector<512x32xf32>, vector<512x32xf32>, vector<512x32xf32>, vector<512x32xf32>, vector<512x32xf32>, vector<512x32xf32>, vector<512x32xf32>, vector<512x32xf32>, vector<512x32xf32>, vector<512x32xf32>, vector<512x32xf32>, vector<512x32xf32> -> vector<512x640xf32>
    %get3A_9 = arith.constant 0 : index
    %get3A_10 = arith.constant 0 : index
    %get3A_11 = vector.load %arg3[%get3A_9, %get3A_10] : memref<512x640xf32, #tpu.memory_space<vmem>>, vector<512x640xf32>
    %mul3A_12 = arith.mulf %concatenate3A, %get3A_11 : vector<512x640xf32>
    %iota3A = tpu.iota {dimensions = array<i32: 0>} : vector<640x20xi32>
    %iota3A_13 = tpu.iota {dimensions = array<i32: 1>} : vector<640x20xi32>
    %jit3A = arith.constant 32 : i32
    %div3A = vector.broadcast %jit3A : i32 to vector<640x20xi32>
    %div3A_14 = arith.divsi %iota3A, %div3A : vector<640x20xi32>
    %sign3A = arith.constant 0 : i32
    %sign3A_15 = vector.broadcast %sign3A : i32 to vector<640x20xi32>
    %sign3A_16 = arith.cmpi sgt, %iota3A, %sign3A_15 : vector<640x20xi32>
    %sign3A_17 = arith.extui %sign3A_16 : vector<640x20xi1> to vector<640x20xi32>
    %sign3A_18 = arith.constant 0 : i32
    %sign3A_19 = vector.broadcast %sign3A_18 : i32 to vector<640x20xi32>
    %sign3A_20 = arith.cmpi slt, %iota3A, %sign3A_19 : vector<640x20xi32>
    %sign3A_21 = arith.extui %sign3A_20 : vector<640x20xi1> to vector<640x20xi32>
    %sign3A_22 = arith.subi %sign3A_17, %sign3A_21 : vector<640x20xi32>
    %sign3A_23 = arith.constant 0 : i32
    %sign3A_24 = arith.cmpi sgt, %jit3A, %sign3A_23 : i32
    %sign3A_25 = arith.extui %sign3A_24 : i1 to i32
    %sign3A_26 = arith.constant 0 : i32
    %sign3A_27 = arith.cmpi slt, %jit3A, %sign3A_26 : i32
    %sign3A_28 = arith.extui %sign3A_27 : i1 to i32
    %sign3A_29 = arith.subi %sign3A_25, %sign3A_28 : i32
    %ne3A = vector.broadcast %sign3A_29 : i32 to vector<640x20xi32>
    %ne3A_30 = arith.cmpi ne, %sign3A_22, %ne3A : vector<640x20xi32>
    %rem3A = vector.broadcast %jit3A : i32 to vector<640x20xi32>
    %rem3A_31 = arith.remsi %iota3A, %rem3A : vector<640x20xi32>
    %ne3A_32 = arith.constant 0 : i32
    %ne3A_33 = vector.broadcast %ne3A_32 : i32 to vector<640x20xi32>
    %ne3A_34 = arith.cmpi ne, %rem3A_31, %ne3A_33 : vector<640x20xi32>
    %and3A = arith.andi %ne3A_30, %ne3A_34 : vector<640x20xi1>
    %sub3A = arith.constant 1 : i32
    %sub3A_35 = vector.broadcast %sub3A : i32 to vector<640x20xi32>
    %sub3A_36 = arith.subi %div3A_14, %sub3A_35 : vector<640x20xi32>
    %select_n3A = arith.select %and3A, %sub3A_36, %div3A_14 : vector<640x20xi1>, vector<640x20xi32>
    %eq3A_37 = arith.cmpi eq, %select_n3A, %iota3A_13 : vector<640x20xi32>
    %convert_element_type3A_38 = arith.extui %eq3A_37 : vector<640x20xi1> to vector<640x20xi32>
    %convert_element_type3A_39 = arith.sitofp %convert_element_type3A_38 : vector<640x20xi32> to vector<640x20xf32>
    %dot_general3A_40 = arith.constant dense<0.000000e+00> : vector<512x20xf32>
    %dot_general3A_41 = tpu.matmul %mul3A_12, %convert_element_type3A_39, %dot_general3A_40 {dimension_numbers = #tpu.dot_dimension_numbers<[1], [0], [0], [1], [0, 0, 1, 1], [], []>, transpose_lhs_hint = false} : vector<512x640xf32>, vector<640x20xf32>, vector<512x20xf32> -> vector<512x20xf32>
    %neg3A = arith.constant 0.000000e+00 : f32
    %neg3A_42 = vector.broadcast %neg3A : f32 to vector<512x1xf32>
    %neg3A_43 = arith.subf %neg3A_42, %dot_general3A_8 : vector<512x1xf32>
    %concatenate3A_44 = tpu.concatenate %neg3A_43, %dot_general3A_41 in 1 : vector<512x1xf32>, vector<512x20xf32> -> vector<512x21xf32>
    %max3A = arith.constant 0.000000e+00 : f32
    %max3A_45 = vector.broadcast %max3A : f32 to vector<512x21xf32>
    %max3A_46 = arith.maximumf %concatenate3A_44, %max3A_45 : vector<512x21xf32>
    %abs3A = math.absf %concatenate3A_44 : vector<512x21xf32>
    %neg3A_47 = arith.constant 0.000000e+00 : f32
    %neg3A_48 = vector.broadcast %neg3A_47 : f32 to vector<512x21xf32>
    %neg3A_49 = arith.subf %neg3A_48, %abs3A : vector<512x21xf32>
    %exp3A = math.exp %neg3A_49 : vector<512x21xf32>
    %log1p3A = math.log1p %exp3A : vector<512x21xf32>
    %add3A = arith.addf %max3A_46, %log1p3A : vector<512x21xf32>
    %get3A_50 = arith.constant 0 : index
    %get3A_51 = arith.constant 0 : index
    %get3A_52 = vector.load %arg4[%get3A_50, %get3A_51] : memref<1x1xf32, #tpu.memory_space<vmem>>, vector<1x1xf32>
    %reduce_sum3A = vector.shape_cast %add3A : vector<512x21xf32> to vector<1x512x21xf32>
    %reduce_sum3A_53 = arith.constant dense<0.000000e+00> : vector<1xf32>
    %reduce_sum3A_54 = vector.multi_reduction <add>, %reduce_sum3A, %reduce_sum3A_53 [1, 2] : vector<1x512x21xf32> to vector<1xf32>
    %reduce_sum3A_55 = vector.shape_cast %reduce_sum3A_54 : vector<1xf32> to vector<1x1x1xf32>
    %reduce_sum3A_56 = vector.extract %reduce_sum3A_55[0, 0, 0] : f32 from vector<1x1x1xf32>
    %reshape3A = vector.broadcast %reduce_sum3A_56 : f32 to vector<1x1xf32>
    %mul3A_57 = arith.constant 6.10351563E-5 : f32
    %mul3A_58 = vector.broadcast %mul3A_57 : f32 to vector<1x1xf32>
    %mul3A_59 = arith.mulf %reshape3A, %mul3A_58 : vector<1x1xf32>
    %add3A_60 = arith.addf %get3A_52, %mul3A_59 : vector<1x1xf32>
    %swap3A = arith.constant 0 : index
    %swap3A_61 = arith.constant 0 : index
    %swap3A_62 = vector.load %arg4[%swap3A, %swap3A_61] : memref<1x1xf32, #tpu.memory_space<vmem>>, vector<1x1xf32>
    tpu.vector_store %arg4[%swap3A, %swap3A_61], %add3A_60 {strides = array<i32>} : memref<1x1xf32, #tpu.memory_space<vmem>>, vector<1x1xf32>,
    return
  }
  func.func @transform_0(%arg0: i32) -> (i32, i32) {
    %c0_i32 = arith.constant 0 : i32
    %c0_i32_0 = arith.constant 0 : i32
    return %arg0, %c0_i32 : i32, i32
  }
  func.func @transform_1(%arg0: i32) -> (i32, i32) {
    %c0_i32 = arith.constant 0 : i32
    %c0_i32_0 = arith.constant 0 : i32
    return %arg0, %c0_i32 : i32, i32
  }
  func.func @transform_2(%arg0: i32) -> (i32, i32) {
    %c0_i32 = arith.constant 0 : i32
    %c0_i32_0 = arith.constant 0 : i32
    return %arg0, %c0_i32 : i32, i32
  }
  func.func @transform_3(%arg0: i32) -> (i32, i32) {
    %c0_i32 = arith.constant 0 : i32
    %c0_i32_0 = arith.constant 0 : i32
    %c0_i32_1 = arith.constant 0 : i32
    return %c0_i32, %c0_i32_0 : i32, i32
  }
}

</mosaic_0001>

<sc_bundles>
// kernel: kernel.10.cloned.1.call-start
scs
__scs_entry_jumppad:
0x0: {  	(pc) =	sbr.rel $0x88, $3  }
0x1: {  	(tag) =	ssettag $0x0;
	lr =	simm.s32 $0x1  }
0x2: {  	[smem:$0x3F9C] =	sst lr;
	_ =	strace $0xD0000000  }
0x3: {  	_ = 	snop  }
0x4: {  	_ = 	snop  }
0x5: {  	_ = 	snop  }
0x6: {  	_ = 	snop  }
0x7: {  	_ = 	snop  }
__scs_overlays_trampoline_lowered:
0x8: {  	[smem:$0x3FAB] =	sst s0  }
0x9: {  	[smem:$0x3FAC] =	sst s1  }
0xa: {  	[smem:$0x3FAD] =	sst s2  }
0xb: {  	[smem:$0x3FAE] =	sst s3  }
0xc: {  	[smem:$0x3FAF] =	sst s4  }
0xd: {  	[smem:$0x3FB0] =	sst s5  }
0xe: {  	[smem:$0x3FB1] =	sst s6  }
0xf: {  	[smem:$0x3FB2] =	sst s7  }
0x10: {  	[smem:$0x3FB3] =	sst s8  }
0x11: {  	[smem:$0x3FB4] =	sst s9;
	s0 =	simm.s32 @!p0 $0x0  }
0x12: {  	s1 =	sld [smem:$0x3F9A];
	s0 =	simm.s32 @p0 $0x1  }
0x13: {  	[smem:$0x3FB5] =	sst s0;
	s0 =	simm.s32 @!p1 $0x0  }
0x14: {  	s2 =	sld [smem:$0x3F99];
	s0 =	simm.s32 @p1 $0x1  }
0x15: {  	[smem:$0x3FB6] =	sst s0;
	s0 =	simm.s32 @!p2 $0x0  }
0x16: {  	s3 =	sld [smem:$0x3FDB];
	s0 =	simm.s32 @p2 $0x1  }
0x17: {  	s4 =	simm.s32 $0x1BF5;
	[smem:$0x3FB8] =	sst s0  }
0x18: {  	s0 =	sld [smem:$0x3F9B];
	_ =	swait.ge [sflag:s4], $0x0  }
0x19: {  	s7 =	sld [smem:$0x3F9C]  }
0x1a: {  	s8 =	sadd.s32 $0xFFFFE003, lr  }
0x1b: {  	s9 =	sadd.s32 $0xFFFFFEF7, lr;
	s5 =	simm.s32 $0xFFFFFFFF;
	p2 =	slt.u32 s8, $0xFFFFF086  }
0x1c: {  	p1 =	slt.u32 s9, $0xF7A;
	s5 =	simm.s32 @!p2 $0x0  }
0x1d: {  	s5 =	simm.s32 @p1 $0x1;
	p0 =	seq.s32 s7, s2  }
0x1e: {  	s7 =	smul.u32 @!p0 $0xF7A, s2;
	p2 =	seq.s32 @!p0 s5, $0x0  }
0x1f: {  	s9 =	smul.u32 $0xF7A, s1;
	s8 =	simm.s32 @!p0 $0x1BF5;
	p2 =	por !p2, p0  }
0x20: {  	[sflag:s8] =	ssyncset.s32 @!p0 $0xFFFFF086;
	s6 =	sadd.s32 @!p0 s3, s7;
	s7 =	simm.s32 @!p0 $0x108  }
0x21: {  	s3 =	sadd.s32 s3, s9;
	s6 =	sadd.s32 @!p0 $0x88, s6;
	s7 =	simm.s32 @p2 $0x1082  }
0x22: {  	[simem:s7], [sflag:s8] =	dma.local @!p0 [hbm:s6], $0xF7A  }
0x23: {  	s9 =	sor.u32 $0xD0000000, s2;
	s6 =	simm.s32 $0x108;
	_ =	swait.ge @!p0 [sflag:s8], $0x0  }
0x24: {  	s3 =	sadd.s32 $0x88, s3;
	s6 =	simm.s32 @!p1 $0x1082;
	[sflag:s4] =	ssyncset.s32 $0xFFFFF086  }
0x25: {  	[simem:s6], [sflag:s4] =	dma.local [hbm:s3], $0xF7A  }
0x26: {  	[smem:$0x3F9C] =	sst s1;
	(tag) =	ssettag s2;
	_ =	strace s9  }
0x27: {  	s1 =	sld [smem:$0x3FAC]  }
0x28: {  	s2 =	sld [smem:$0x3FAD]  }
0x29: {  	s4 =	sld [smem:$0x3FAF]  }
0x2a: {  	p0 =	seq.s32 s5, $0x0;
	s5 =	sld [smem:$0x3FB0]  }
0x2b: {  	s6 =	sld [smem:$0x3FB1]  }
0x2c: {  	s7 =	sld [smem:$0x3FB2]  }
0x2d: {  	s3 =	simm.s32 $0x108;
	s8 =	sld [smem:$0x3FB3]  }
0x2e: {  	s3 =	simm.s32 @!p0 $0x1082;
	s9 =	sld [smem:$0x3FB4]  }
0x2f: {  	lr =	sadd.s32 s0, s3;
	s0 =	sld [smem:$0x3FAB]  }
0x30: {  	s3 =	sld [smem:$0x3FAE]  }
0x31: {  	[smem:$0x3FB7] =	sst s10  }
0x32: {  	s10 =	sld [smem:$0x3FB5];
	_ =	sdelay $0x3  }
0x33: {  	p0 =	seq.s32 s10, $0x1;
	s10 =	sld [smem:$0x3FB7];
	_ =	sdelay $0x3  }
0x34: {  	[smem:$0x3FB7] =	sst s10  }
0x35: {  	s10 =	sld [smem:$0x3FB6];
	_ =	sdelay $0x3  }
0x36: {  	p1 =	seq.s32 s10, $0x1;
	s10 =	sld [smem:$0x3FB7];
	_ =	sdelay $0x3  }
0x37: {  	[smem:$0x3FB7] =	sst s10  }
0x38: {  	s10 =	sld [smem:$0x3FB8]  }
0x39: {  	_ = 	snop;
	(pc) =	sbr.ind lr, $3  }
0x3a: {  	_ = 	snop  }
0x3b: {  	_ = 	snop  }
0x3c: {  	p2 =	seq.s32 s10, $0x1;
	s10 =	sld [smem:$0x3FB7]  }
0x3d: {  	_ =	shalt  }
0x3e: {  	_ =	shalt  }
0x3f: {  	_ =	shalt  }
0x40: {  	_ =	shalt  }
0x41: {  	_ =	shalt  }
0x42: {  	_ =	shalt  }
0x43: {  	_ =	shalt  }
0x44: {  	_ =	shalt  }
0x45: {  	_ =	shalt  }
0x46: {  	_ =	shalt  }
0x47: {  	_ =	shalt  }
0x48: {  	_ =	shalt  }
0x49: {  	_ =	shalt  }
0x4a: {  	_ =	shalt  }
0x4b: {  	_ =	shalt  }
0x4c: {  	_ =	shalt  }
0x4d: {  	_ =	shalt  }
0x4e: {  	_ =	shalt  }
0x4f: {  	_ =	shalt  }
0x50: {  	_ =	shalt  }
0x51: {  	_ =	shalt  }
0x52: {  	_ =	shalt  }
0x53: {  	_ =	shalt  }
0x54: {  	_ =	shalt  }
0x55: {  	_ =	shalt  }
0x56: {  	_ =	shalt  }
0x57: {  	_ =	shalt  }
0x58: {  	_ =	shalt  }
0x59: {  	_ =	shalt  }
0x5a: {  	_ =	shalt  }
0x5b: {  	_ =	shalt  }
0x5c: {  	_ =	shalt  }
0x5d: {  	_ =	shalt  }
0x5e: {  	_ =	shalt  }
0x5f: {  	_ =	shalt  }
0x60: {  	_ =	shalt  }
0x61: {  	_ =	shalt  }
0x62: {  	_ =	shalt  }
0x63: {  	_ =	shalt  }
0x64: {  	_ =	shalt  }
0x65: {  	_ =	shalt  }
0x66: {  	_ =	shalt  }
0x67: {  	_ =	shalt  }
0x68: {  	_ =	shalt  }
0x69: {  	_ =	shalt  }
0x6a: {  	_ =	shalt  }
0x6b: {  	_ =	shalt  }
0x6c: {  	_ =	shalt  }
0x6d: {  	_ =	shalt  }
0x6e: {  	_ =	shalt  }
0x6f: {  	_ =	shalt  }
0x70: {  	_ =	shalt  }
0x71: {  	_ =	shalt  }
0x72: {  	_ =	shalt  }
0x73: {  	_ =	shalt  }
0x74: {  	_ =	shalt  }
0x75: {  	_ =	shalt  }
0x76: {  	_ =	shalt  }
0x77: {  	_ =	shalt  }
0x78: {  	_ =	shalt  }
0x79: {  	_ =	shalt  }
0x7a: {  	_ =	shalt  }
0x7b: {  	_ =	shalt  }
0x7c: {  	_ =	shalt  }
0x7d: {  	_ =	shalt  }
0x7e: {  	_ =	shalt  }
0x7f: {  	_ =	shalt  }
0x80: {  	_ =	shalt  }
0x81: {  	_ =	shalt  }
0x82: {  	_ =	shalt  }
0x83: {  	_ =	shalt  }
0x84: {  	_ =	shalt  }
0x85: {  	_ =	shalt  }
0x86: {  	_ =	shalt  }
0x87: {  	_ =	shalt  }
.Lfunc_end0:
.L_simem_size_0:
called_computation.1_lowered:
.L_overlay_start_0:
0x88: {  	s2 =	sld [smem:$0x3FD9]  }
0x89: {  	s3 =	sld [smem:$0x3FFE];
	_ =	sdelay $0x1  }
0x8a: {  	s1 =	srdreg.scid  }
0x8b: {  	s0 =	sand.u32 $0x1, s1  }
0x8c: {  	s17 =	sshll.u32 s0, $0xA;
	s2 =	sadd.s32 s3, s2  }
0x8d: {  	s2 =	sadd.s32 s2, s17  }
0x8e: {  	[smem:$0x3FC3] =	sst s2  }
0x8f: {  	_ = 	snop  }
0x90: {  	(tm) =	ssettm $0x1  }
0x91: {  	s18 =	sld [smem:$0x3FFB];
	_ =	sdelay $0x3  }
0x92: {  	_ =	strace s18  }
0x93: {  	s2 =	sld [smem:$0x3FFC];
	_ =	sdelay $0x3  }
0x94: {  	_ =	strace s2  }
0x95: {  	s2 =	sld [smem:$0x3FFD];
	_ =	sdelay $0x3  }
0x96: {  	_ =	strace s2  }
0x97: {  	_ =	strace $0x8FFFFFFF  }
0x98: {  	s19 =	sld [smem:$0x3FDB];
	_ =	sdelay $0x1  }
0x99: {  	s20 =	simm.s32 $_scs_section_size  }
0x9a: {  	s4 =	simm.s32 $_size__tile_overlayer_lowered;
	s5 =	simm.s32 $_tile_overlayer_lowered  }
0x9b: {  	s6 =	simm.s32 $0x1BFF;
	s21 =	sshll.u32 s5, $0x1;
	s3 =	sadd.s32 s20, s19  }
0x9c: {  	s22 =	simm.s32 $0x0;
	s4 =	sshll.u32 s4, $0x1;
	s5 =	sadd.s32 s21, s3  }
0x9d: {  	[timem:s22], [sflag:s6] =	dma.local [hbm:s5], s4  }
0x9e: {  	_ =	swait.ge [sflag:s6], s4  }
0x9f: {  	s4 =	ssub.s32 $0x0, s4;
	[sflag:s6] =	ssyncset.done $0x0  }
0xa0: {  	[sflag:s6] =	ssyncadd.s32 s4;
	_ =	sdelay $0x1  }
0xa1: {  	s23 =	simm.s32 $0x1B8B  }
0xa2: {  	_ =	swait.ge [sflag:s23], $0x1  }
0xa3: {  	[sflag:s23] =	ssyncset.done $0x0  }
0xa4: {  	[sflag:s23] =	ssyncadd.s32 $0xFFFFFFFF  }
0xa5: {  	s4 =	sld [smem:$0x0]  }
0xa6: {  	s5 =	sand.u32 $0xFFFFFFFE, s1  }
0xa7: {  	p0 =	sne.s32 s1, s5  }
0xa8: {  	s5 =	sshll.u32 @p0 s5, $0xE  }
0xa9: {  	s5 =	sadd.s32 @p0 $0x11B8D, s5;
	s6 =	sshll.u32 @p0 s4, $0x11  }
0xaa: {  	s5 =	sor.u32 @p0 s6, s5  }
0xab: {  	[sflag:s5] =	ssyncadd.remote.s32 @p0 $0x1;
	_ =	sdelay $0x1  }
0xac: {  	s5 =	simm.s32 @p0 $0x1B8D  }
0xad: {  	_ =	swait.eq @p0 [sflag:s5], $0x1  }
0xae: {  	[sflag:s5] =	ssyncadd.s32 @p0 $0xFFFFFFFF  }
0xaf: {  	s6 =	sshll.u32 @!p0 s1, $0xE  }
0xb0: {  	s6 =	sor.u32 @!p0 $0x4000, s6;
	s5 =	simm.s32 @!p0 $0x1B8D  }
0xb1: {  	s4 =	sshll.u32 @!p0 s4, $0x11;
	s6 =	sadd.s32 @!p0 $0x11B8D, s6;
	_ =	swait.eq @!p0 [sflag:s5], $0x1  }
0xb2: {  	s4 =	sor.u32 @!p0 s4, s6;
	[sflag:s5] =	ssyncadd.s32 @!p0 $0xFFFFFFFF  }
0xb3: {  	s25 =	simm.s32 $0x1B8E;
	s24 =	sld [smem:$0x3FFE];
	[sflag:s4] =	ssyncadd.remote.s32 @!p0 $0x1  }
0xb4: {  	s26 =	simm.s32 $execute0_lowered;
	[smem:$0x3FD2] =	sst s25  }
0xb5: {  	s5 =	sshll.u32 s26, $0x1;
	_ =	strace $0x80000049;
	[dreg:$0x1] =	wrdreg $0xFFFFFFFF  }
0xb6: {  	s28 =	simm.s32 $_size_execute0_lowered;
	s3 =	sadd.s32 s3, s5;
	[dreg:$0x0] =	wrdreg $0x0  }
0xb7: {  	s5 =	sshll.u32 s28, $0x1;
	[dreg:$0x2] =	wrdreg s3  }
0xb8: {  	[dreg:$0x3] =	wrdreg s5  }
0xb9: {  	[dreg:$0x4] =	wrdreg $0xC0  }
0xba: {  	_ =	task [dreg:s22], $0x5FFFF  }
0xbb: {  	[dreg:$0x1] =	wrdreg $0xFFFFFFFF  }
0xbc: {  	[dreg:$0x0] =	wrdreg $0x60  }
0xbd: {  	[dreg:$0x2] =	wrdreg s24  }
0xbe: {  	[dreg:$0x3] =	wrdreg $0xA  }
0xbf: {  	_ =	task.clear_ibuf [dreg:s22], $0x4FFFF;
	_ =	strace $0x90000049  }
0xc0: {  	s29 =	simm.s32 $0xA;
	_ =	strace $0x8000004B  }
0xc1: {  	_ =	swait.ge [sflag:s29], $0x1  }
0xc2: {  	[sflag:s29] =	ssyncadd.s32 $0xFFFFFFFF  }
0xc3: {  	_ =	strace $0x9000004B  }
0xc4: {  	_ =	sfence  }
0xc5: {  	s30 =	sld [smem:$0x0];
	_ =	sdelay $0x2  }
0xc6: {  	s31 =	sshll.u32 s1, $0xD;
	s1 =	sshrl.u32 s1, $0x2  }
0xc7: {  	s4 =	sand.u32 $0x4000, s31;
	s1 =	sadd.s32 s1, s30  }
0xc8: {  	s0 =	sor.u32 s4, s0;
	s1 =	sshll.u32 s1, $0x11  }
0xc9: {  	s0 =	sor.u32 s1, s0  }
0xca: {  	s0 =	sadd.s32 $0x8F2B, s0  }
0xcb: {  	[sflag:s0] =	ssyncadd.remote.s32 $0x1  }
0xcc: {  	_ =	sfence.sel $0xFFFF  }
0xcd: {  	[dreg:$0x0] =	wrdreg $0xFFFFFFFF;
	(pc) =	sbr.abs _section_cstart, $3  }
0xce: {  	[dreg:$0x1] =	wrdreg $0xFFFFFFFF  }
0xcf: {  	_ =	task.clear_ibuf [dreg:s22], $0x2FFFF;
	_ =	strace $0x9FFFFFFF  }
0xd0: {  	(tm) =	ssettm $0x7FFFFFFF  }
0xd1: {  	_ =	shalt  }
tec
execute0_lowered:
.L_overlay_start_1:
0x0: {  	(tag) =	ssettag $0x1  }
0x1: {  	s1 =	srdreg.scid  }
0x2: {  	s0 =	stileid.u32;
	s6 =	sand.u32 $0x1, s1  }
0x3: {  	s8 =	rddreg [dreg:$0x0];
	s30 =	sshll.u32 s0, $0xA;
	s2 =	sshll.u32 s6, $0x9  }
0x4: {  	s7 =	simm.s32 $0x1;
	s1 =	rddreg [dreg:$0x1];
	s9 =	sor.u32 s2, s30  }
0x5: {  	s5 =	sadd.s32 $0x53BC00, s8;
	s2 =	simm.s32 $0x0;
	s3 =	sshrl.u32 s9, $0x3  }
0x6: {  	s10 =	ssub.s32 $0x2, s6;
	[smem:$0x7FF] =	sst s2;
	s3 =	sadd.s32 s3, s8  }
0x7: {  	_ =	strace $0x8000004A;
	s4 =	sadd.s32 $0x91BC00, s3;
	s3 =	simm.s32 $0x2  }
0x8: {  	[tilespmem:s2], [sflag:$0x2] =	stream.linear.gather [hbm4b:s4+s2], $0x200, $0x38;
	[tilespmem:$0x4200] =	vst v63  }
0x9: {  	s6 =	simm.s32 $0x200;
	s11 =	sshrl.u32 s10, $0x1;
	_ =	swait.ge [sflag:s3], $0x200  }
0xa: {  	s9 =	sshll.u32 s9, $0x2;
	s31 =	ssub.s32 s10, s11;
	[sflag:s3] =	ssyncset.done $0x0  }
0xb: {  	s8 =	sadd.s32 s9, s8;
	s9 =	smax.u32 s31, $0x1;
	[sflag:s3] =	ssyncadd.s32 $0xFFFFFE00  }
0xc: {  	[tilespmem:s6], [sflag:$0x1] =	stream.indirect.gather [hbm4b:s5+s6], $0x20, s2, s6, $0xb8;
	[tilespmem:$0x4200] =	vst v63  }
0xd: {  	p0 =	sne.s32 s9, $0x1;
	_ =	swait.ge [sflag:s7], $0x4000  }
.Ltmp0:
0xe: {  	[sflag:s7] =	ssyncset.done $0x0;
	(pc) =	sbr.rel @!p0 .LBB2_2-.Ltmp0, $4  }
0xf: {  	s8 =	sadd.s32 $0x91C400, s8;
	[sflag:s7] =	ssyncadd.s32 $0xFFFFC000  }
0x10: {  	[hbm4b:s8+s2] =	stream.linear.scatter [tilespmem:s6], [sflag:$0x2], $0x4000, $0x38;
	[tilespmem:$0x4200] =	vst v63  }
0x11: {  	_ =	swait.ge [sflag:s3], $0x4000  }
0x12: {  	s9 =	sadd.s32 $0xFFFFFFFF, s9;
	[sflag:s3] =	ssyncset.done $0x0  }
.LBB2_1:
0x13: {  	p0 =	sne.s32 s9, $0x1;
	s9 =	sadd.s32 $0xFFFFFFFF, s9;
	[sflag:s3] =	ssyncadd.s32 $0xFFFFC000  }
0x14: {  	[tilespmem:s2], [sflag:$0x2] =	stream.linear.gather [hbm4b:s4+s2], $0x200, $0x38;
	[tilespmem:$0x4200] =	vst v63  }
0x15: {  	_ =	swait.ge [sflag:s3], $0x200  }
0x16: {  	[sflag:s3] =	ssyncset.done $0x0  }
0x17: {  	[sflag:s3] =	ssyncadd.s32 $0xFFFFFE00  }
0x18: {  	[tilespmem:s6], [sflag:$0x1] =	stream.indirect.gather [hbm4b:s5+s6], $0x20, s2, s6, $0xb8;
	[tilespmem:$0x4200] =	vst v63  }
0x19: {  	_ =	swait.ge [sflag:s7], $0x4000  }
.Ltmp1:
0x1a: {  	[sflag:s7] =	ssyncset.done $0x0;
	(pc) =	sbr.rel @p0 .LBB2_1-.Ltmp1, $4  }
0x1b: {  	[sflag:s7] =	ssyncadd.s32 $0xFFFFC000  }
0x1c: {  	[hbm4b:s8+s2] =	stream.linear.scatter [tilespmem:s6], [sflag:$0x2], $0x4000, $0x38;
	[tilespmem:$0x4200] =	vst v63  }
0x1d: {  	_ =	swait.ge [sflag:s3], $0x4000  }
0x1e: {  	[sflag:s3] =	ssyncset.done $0x0  }
.LBB2_2:
0x1f: {  	[sflag:s3] =	ssyncadd.s32 $0xFFFFC000  }
0x20: {  	_ =	sfence.sel $0x180000  }
0x21: {  	[bflag:$0x0] =	sbarrier.arrive $0xFFFF  }
0x22: {  	p0 =	sne.s32 s0, $0x0;
	_ =	strace $0x9000004A  }
0x23: {  	s0 =	sadd.s32 @!p0 $0x100000, s1;
	[bflag:$0x2] =	sbarrier.arrive $0xFFFF  }
0x24: {  	[sflag:s0] =	ssyncadd.tile.s32 @!p0 $0x1;
	_ =	shalt  }
.Lfunc_end2:
_tile_overlayer_lowered:
.L_overlay_start_2:
0x25: {  	(tag) =	ssettag $0x2  }
0x26: {  	s0 =	rddreg [dreg:$0x0];
	s2 =	stileid.u32  }
0x27: {  	s1 =	rddreg [dreg:$0x1];
	p0 =	sne.s32 s2, $0x0  }
0x28: {  	s3 =	rddreg [dreg:$0x2];
	[bflag:$0x3] =	sbarrier.arrive $0xFFFF;
	s2 =	simm.s32 @!p0 $0x1C02  }
0x29: {  	[timem:s3], [sflag:s2] =	dma.local @!p0 [hbm:s0], s1  }
0x2a: {  	s0 =	simm.s32 @!p0 $0x2  }
0x2b: {  	_ =	swait.ge @!p0 [sflag:s0], s1  }
0x2c: {  	s1 =	ssub.s32 @!p0 $0x0, s1;
	[sflag:s0] =	ssyncset.done @!p0 $0x0  }
0x2d: {  	[sflag:s0] =	ssyncadd.s32 @!p0 s1  }
0x2e: {  	[bflag:$0x3] =	sbarrier.arrive $0xFFFF  }
0x2f: {  	_ =	shalt  }

// kernel: kernel.7.cloned.1.call-start
scs
__scs_entry_jumppad:
0x0: {  	(pc) =	sbr.rel $0x88, $3  }
0x1: {  	(tag) =	ssettag $0x0;
	lr =	simm.s32 $0x1  }
0x2: {  	[smem:$0x3F9C] =	sst lr;
	_ =	strace $0xD0000000  }
0x3: {  	_ = 	snop  }
0x4: {  	_ = 	snop  }
0x5: {  	_ = 	snop  }
0x6: {  	_ = 	snop  }
0x7: {  	_ = 	snop  }
__scs_overlays_trampoline_lowered:
0x8: {  	[smem:$0x3FAB] =	sst s0  }
0x9: {  	[smem:$0x3FAC] =	sst s1  }
0xa: {  	[smem:$0x3FAD] =	sst s2  }
0xb: {  	[smem:$0x3FAE] =	sst s3  }
0xc: {  	[smem:$0x3FAF] =	sst s4  }
0xd: {  	[smem:$0x3FB0] =	sst s5  }
0xe: {  	[smem:$0x3FB1] =	sst s6  }
0xf: {  	[smem:$0x3FB2] =	sst s7  }
0x10: {  	[smem:$0x3FB3] =	sst s8  }
0x11: {  	[smem:$0x3FB4] =	sst s9;
	s0 =	simm.s32 @!p0 $0x0  }
0x12: {  	s1 =	sld [smem:$0x3F9A];
	s0 =	simm.s32 @p0 $0x1  }
0x13: {  	[smem:$0x3FB5] =	sst s0;
	s0 =	simm.s32 @!p1 $0x0  }
0x14: {  	s2 =	sld [smem:$0x3F99];
	s0 =	simm.s32 @p1 $0x1  }
0x15: {  	[smem:$0x3FB6] =	sst s0;
	s0 =	simm.s32 @!p2 $0x0  }
0x16: {  	s3 =	sld [smem:$0x3FDB];
	s0 =	simm.s32 @p2 $0x1  }
0x17: {  	s4 =	simm.s32 $0x1BF5;
	[smem:$0x3FB8] =	sst s0  }
0x18: {  	s0 =	sld [smem:$0x3F9B];
	_ =	swait.ge [sflag:s4], $0x0  }
0x19: {  	s7 =	sld [smem:$0x3F9C]  }
0x1a: {  	s8 =	sadd.s32 $0xFFFFE003, lr  }
0x1b: {  	s9 =	sadd.s32 $0xFFFFFEF7, lr;
	s5 =	simm.s32 $0xFFFFFFFF;
	p2 =	slt.u32 s8, $0xFFFFF086  }
0x1c: {  	p1 =	slt.u32 s9, $0xF7A;
	s5 =	simm.s32 @!p2 $0x0  }
0x1d: {  	s5 =	simm.s32 @p1 $0x1;
	p0 =	seq.s32 s7, s2  }
0x1e: {  	s7 =	smul.u32 @!p0 $0xF7A, s2;
	p2 =	seq.s32 @!p0 s5, $0x0  }
0x1f: {  	s9 =	smul.u32 $0xF7A, s1;
	s8 =	simm.s32 @!p0 $0x1BF5;
	p2 =	por !p2, p0  }
0x20: {  	[sflag:s8] =	ssyncset.s32 @!p0 $0xFFFFF086;
	s6 =	sadd.s32 @!p0 s3, s7;
	s7 =	simm.s32 @!p0 $0x108  }
0x21: {  	s3 =	sadd.s32 s3, s9;
	s6 =	sadd.s32 @!p0 $0x88, s6;
	s7 =	simm.s32 @p2 $0x1082  }
0x22: {  	[simem:s7], [sflag:s8] =	dma.local @!p0 [hbm:s6], $0xF7A  }
0x23: {  	s9 =	sor.u32 $0xD0000000, s2;
	s6 =	simm.s32 $0x108;
	_ =	swait.ge @!p0 [sflag:s8], $0x0  }
0x24: {  	s3 =	sadd.s32 $0x88, s3;
	s6 =	simm.s32 @!p1 $0x1082;
	[sflag:s4] =	ssyncset.s32 $0xFFFFF086  }
0x25: {  	[simem:s6], [sflag:s4] =	dma.local [hbm:s3], $0xF7A  }
0x26: {  	[smem:$0x3F9C] =	sst s1;
	(tag) =	ssettag s2;
	_ =	strace s9  }
0x27: {  	s1 =	sld [smem:$0x3FAC]  }
0x28: {  	s2 =	sld [smem:$0x3FAD]  }
0x29: {  	s4 =	sld [smem:$0x3FAF]  }
0x2a: {  	p0 =	seq.s32 s5, $0x0;
	s5 =	sld [smem:$0x3FB0]  }
0x2b: {  	s6 =	sld [smem:$0x3FB1]  }
0x2c: {  	s7 =	sld [smem:$0x3FB2]  }
0x2d: {  	s3 =	simm.s32 $0x108;
	s8 =	sld [smem:$0x3FB3]  }
0x2e: {  	s3 =	simm.s32 @!p0 $0x1082;
	s9 =	sld [smem:$0x3FB4]  }
0x2f: {  	lr =	sadd.s32 s0, s3;
	s0 =	sld [smem:$0x3FAB]  }
0x30: {  	s3 =	sld [smem:$0x3FAE]  }
0x31: {  	[smem:$0x3FB7] =	sst s10  }
0x32: {  	s10 =	sld [smem:$0x3FB5];
	_ =	sdelay $0x3  }
0x33: {  	p0 =	seq.s32 s10, $0x1;
	s10 =	sld [smem:$0x3FB7];
	_ =	sdelay $0x3  }
0x34: {  	[smem:$0x3FB7] =	sst s10  }
0x35: {  	s10 =	sld [smem:$0x3FB6];
	_ =	sdelay $0x3  }
0x36: {  	p1 =	seq.s32 s10, $0x1;
	s10 =	sld [smem:$0x3FB7];
	_ =	sdelay $0x3  }
0x37: {  	[smem:$0x3FB7] =	sst s10  }
0x38: {  	s10 =	sld [smem:$0x3FB8]  }
0x39: {  	_ = 	snop;
	(pc) =	sbr.ind lr, $3  }
0x3a: {  	_ = 	snop  }
0x3b: {  	_ = 	snop  }
0x3c: {  	p2 =	seq.s32 s10, $0x1;
	s10 =	sld [smem:$0x3FB7]  }
0x3d: {  	_ =	shalt  }
0x3e: {  	_ =	shalt  }
0x3f: {  	_ =	shalt  }
0x40: {  	_ =	shalt  }
0x41: {  	_ =	shalt  }
0x42: {  	_ =	shalt  }
0x43: {  	_ =	shalt  }
0x44: {  	_ =	shalt  }
0x45: {  	_ =	shalt  }
0x46: {  	_ =	shalt  }
0x47: {  	_ =	shalt  }
0x48: {  	_ =	shalt  }
0x49: {  	_ =	shalt  }
0x4a: {  	_ =	shalt  }
0x4b: {  	_ =	shalt  }
0x4c: {  	_ =	shalt  }
0x4d: {  	_ =	shalt  }
0x4e: {  	_ =	shalt  }
0x4f: {  	_ =	shalt  }
0x50: {  	_ =	shalt  }
0x51: {  	_ =	shalt  }
0x52: {  	_ =	shalt  }
0x53: {  	_ =	shalt  }
0x54: {  	_ =	shalt  }
0x55: {  	_ =	shalt  }
0x56: {  	_ =	shalt  }
0x57: {  	_ =	shalt  }
0x58: {  	_ =	shalt  }
0x59: {  	_ =	shalt  }
0x5a: {  	_ =	shalt  }
0x5b: {  	_ =	shalt  }
0x5c: {  	_ =	shalt  }
0x5d: {  	_ =	shalt  }
0x5e: {  	_ =	shalt  }
0x5f: {  	_ =	shalt  }
0x60: {  	_ =	shalt  }
0x61: {  	_ =	shalt  }
0x62: {  	_ =	shalt  }
0x63: {  	_ =	shalt  }
0x64: {  	_ =	shalt  }
0x65: {  	_ =	shalt  }
0x66: {  	_ =	shalt  }
0x67: {  	_ =	shalt  }
0x68: {  	_ =	shalt  }
0x69: {  	_ =	shalt  }
0x6a: {  	_ =	shalt  }
0x6b: {  	_ =	shalt  }
0x6c: {  	_ =	shalt  }
0x6d: {  	_ =	shalt  }
0x6e: {  	_ =	shalt  }
0x6f: {  	_ =	shalt  }
0x70: {  	_ =	shalt  }
0x71: {  	_ =	shalt  }
0x72: {  	_ =	shalt  }
0x73: {  	_ =	shalt  }
0x74: {  	_ =	shalt  }
0x75: {  	_ =	shalt  }
0x76: {  	_ =	shalt  }
0x77: {  	_ =	shalt  }
0x78: {  	_ =	shalt  }
0x79: {  	_ =	shalt  }
0x7a: {  	_ =	shalt  }
0x7b: {  	_ =	shalt  }
0x7c: {  	_ =	shalt  }
0x7d: {  	_ =	shalt  }
0x7e: {  	_ =	shalt  }
0x7f: {  	_ =	shalt  }
0x80: {  	_ =	shalt  }
0x81: {  	_ =	shalt  }
0x82: {  	_ =	shalt  }
0x83: {  	_ =	shalt  }
0x84: {  	_ =	shalt  }
0x85: {  	_ =	shalt  }
0x86: {  	_ =	shalt  }
0x87: {  	_ =	shalt  }
.Lfunc_end0:
.L_simem_size_0:
called_computation_lowered:
.L_overlay_start_0:
0x88: {  	s2 =	sld [smem:$0x3FD9]  }
0x89: {  	s3 =	sld [smem:$0x3FFE];
	_ =	sdelay $0x1  }
0x8a: {  	s1 =	srdreg.scid  }
0x8b: {  	s0 =	sand.u32 $0x1, s1  }
0x8c: {  	s16 =	sshll.u32 s0, $0xA;
	s2 =	sadd.s32 s3, s2  }
0x8d: {  	s2 =	sadd.s32 s2, s16  }
0x8e: {  	[smem:$0x3FC3] =	sst s2  }
0x8f: {  	_ = 	snop  }
0x90: {  	(tm) =	ssettm $0x1  }
0x91: {  	s17 =	sld [smem:$0x3FFB];
	_ =	sdelay $0x3  }
0x92: {  	_ =	strace s17  }
0x93: {  	s2 =	sld [smem:$0x3FFC];
	_ =	sdelay $0x3  }
0x94: {  	_ =	strace s2  }
0x95: {  	s2 =	sld [smem:$0x3FFD];
	_ =	sdelay $0x3  }
0x96: {  	_ =	strace s2  }
0x97: {  	_ =	strace $0x8FFFFFFF  }
0x98: {  	s18 =	sld [smem:$0x3FDB];
	_ =	sdelay $0x1  }
0x99: {  	s19 =	simm.s32 $_scs_section_size  }
0x9a: {  	s4 =	simm.s32 $_size__tile_overlayer_lowered;
	s5 =	simm.s32 $_tile_overlayer_lowered  }
0x9b: {  	s22 =	simm.s32 $0x1BFF;
	s21 =	sshll.u32 s5, $0x1;
	s2 =	sadd.s32 s19, s18  }
0x9c: {  	s6 =	simm.s32 $0x0;
	s20 =	sshll.u32 s4, $0x1;
	s4 =	sadd.s32 s21, s2  }
0x9d: {  	[timem:s6], [sflag:s22] =	dma.local [hbm:s4], s20  }
0x9e: {  	_ =	swait.ge [sflag:s22], s20  }
0x9f: {  	s3 =	ssub.s32 $0x0, s20;
	[sflag:s22] =	ssyncset.done $0x0  }
0xa0: {  	[sflag:s22] =	ssyncadd.s32 s3;
	_ =	sdelay $0x1  }
0xa1: {  	s23 =	simm.s32 $0x1B8B  }
0xa2: {  	_ =	swait.ge [sflag:s23], $0x1  }
0xa3: {  	[sflag:s23] =	ssyncset.done $0x0  }
0xa4: {  	s25 =	simm.s32 $0x1B8E;
	s24 =	sld [smem:$0x3FFE];
	[sflag:s23] =	ssyncadd.s32 $0xFFFFFFFF  }
0xa5: {  	s26 =	simm.s32 $execute0_lowered;
	[smem:$0x3FD2] =	sst s25  }
0xa6: {  	s4 =	sshll.u32 s26, $0x1;
	_ =	strace $0x80000046;
	[dreg:$0x1] =	wrdreg $0xFFFFFFFF  }
0xa7: {  	s28 =	simm.s32 $_size_execute0_lowered;
	s2 =	sadd.s32 s2, s4;
	[dreg:$0x0] =	wrdreg $0x0  }
0xa8: {  	s4 =	sshll.u32 s28, $0x1;
	[dreg:$0x2] =	wrdreg s2  }
0xa9: {  	[dreg:$0x3] =	wrdreg s4  }
0xaa: {  	[dreg:$0x4] =	wrdreg $0xC0  }
0xab: {  	_ =	task [dreg:s6], $0x5FFFF  }
0xac: {  	[dreg:$0x1] =	wrdreg $0xFFFFFFFF  }
0xad: {  	[dreg:$0x0] =	wrdreg $0x60  }
0xae: {  	[dreg:$0x2] =	wrdreg s24  }
0xaf: {  	[dreg:$0x3] =	wrdreg $0x9  }
0xb0: {  	_ =	task.clear_ibuf [dreg:s6], $0x4FFFF;
	_ =	strace $0x90000046  }
0xb1: {  	s29 =	simm.s32 $0x9;
	_ =	strace $0x80000048  }
0xb2: {  	_ =	swait.ge [sflag:s29], $0x1  }
0xb3: {  	[sflag:s29] =	ssyncadd.s32 $0xFFFFFFFF  }
0xb4: {  	_ =	strace $0x90000048  }
0xb5: {  	_ =	sfence  }
0xb6: {  	s30 =	sld [smem:$0x0];
	_ =	sdelay $0x2  }
0xb7: {  	s31 =	sshll.u32 s1, $0xD;
	s1 =	sshrl.u32 s1, $0x2  }
0xb8: {  	s3 =	sand.u32 $0x4000, s31;
	s1 =	sadd.s32 s1, s30  }
0xb9: {  	s0 =	sor.u32 s3, s0;
	s1 =	sshll.u32 s1, $0x11  }
0xba: {  	s0 =	sor.u32 s1, s0  }
0xbb: {  	s0 =	sadd.s32 $0x8F2B, s0  }
0xbc: {  	[sflag:s0] =	ssyncadd.remote.s32 $0x1  }
0xbd: {  	_ =	sfence.sel $0xFFFF  }
0xbe: {  	[dreg:$0x0] =	wrdreg $0xFFFFFFFF;
	(pc) =	sbr.abs _section_cstart, $3  }
0xbf: {  	[dreg:$0x1] =	wrdreg $0xFFFFFFFF  }
0xc0: {  	_ =	task.clear_ibuf [dreg:s6], $0x2FFFF;
	_ =	strace $0x9FFFFFFF  }
0xc1: {  	(tm) =	ssettm $0x7FFFFFFF  }
tec
execute0_lowered:
.L_overlay_start_1:
0x0: {  	(tag) =	ssettag $0x1  }
0x1: {  	s0 =	srdreg.scid;
	s1 =	stileid.u32  }
0x2: {  	s2 =	sand.u32 $0x1, s0;
	s26 =	sshll.u32 s1, $0x1  }
0x3: {  	s0 =	sor.u32 s2, s26  }
0x4: {  	s12 =	rddreg [dreg:$0x0];
	s3 =	sshll.u32 s0, $0x6  }
0x5: {  	[dreg:$0x3] =	wrdreg s2;
	s2 =	simm.s32 $0x0;
	s3 =	sadd.s32 s3, s12  }
0x6: {  	[smem:$0x7FF] =	sst s2;
	s3 =	sadd.s32 $0x3EB400, s3  }
0x7: {  	_ =	strace $0x80000047;
	[dreg:$0x2] =	wrdreg s3  }
0x8: {  	s3 =	simm.s32 $0x2;
	s4 =	rddreg [dreg:$0x2]  }
0x9: {  	[tilespmem:s2], [sflag:$0x2] =	stream.linear.gather [hbm4b:s4+s2], $0x200, $0x38;
	[tilespmem:$0xC600] =	vst v63  }
0xa: {  	_ =	swait.ge [sflag:s3], $0x200  }
0xb: {  	s5 =	simm.s32 $0x200;
	[sflag:s3] =	ssyncset.done $0x0  }
0xc: {  	s6 =	simm.s32 $0x1;
	s4 =	sadd.s32 $0x1400, s12;
	[sflag:s3] =	ssyncadd.s32 $0xFFFFFE00  }
0xd: {  	[tilespmem:s5], [sflag:$0x1] =	stream.indirect.gather [hbm4b:s4+s5], $0x20, s2, s5, $0xb8;
	[tilespmem:$0xC600] =	vst v63  }
0xe: {  	s7 =	sshll.u32 s0, $0xB;
	_ =	swait.ge [sflag:s6], $0x4000  }
0xf: {  	s7 =	sadd.s32 s7, s12;
	[sflag:s6] =	ssyncset.done $0x0  }
0x10: {  	s31 =	smul.u32 $0x2800, s0;
	s7 =	sadd.s32 $0x52BC00, s7;
	[sflag:s6] =	ssyncadd.s32 $0xFFFFC000  }
0x11: {  	[hbm4b:s7+s2] =	stream.linear.scatter [tilespmem:s5], [sflag:$0x2], $0x4000, $0x38;
	[tilespmem:$0xC600] =	vst v63  }
0x12: {  	_ =	swait.ge [sflag:s3], $0x4000  }
0x13: {  	s30 =	sadd.s32 $0x3E1400, s12;
	s8 =	sshrl.u32 s31, $0x3;
	[sflag:s3] =	ssyncset.done $0x0  }
0x14: {  	s9 =	simm.s32 $0x4200;
	s8 =	sadd.s32 s30, s8;
	[sflag:s3] =	ssyncadd.s32 $0xFFFFC000  }
0x15: {  	[tilespmem:s9], [sflag:$0x2] =	stream.linear.gather [hbm4b:s8+s2], $0x400, $0x38;
	[tilespmem:$0xC600] =	vst v63  }
0x16: {  	_ =	swait.ge [sflag:s3], $0x400  }
0x17: {  	[sflag:s3] =	ssyncset.done $0x0  }
0x18: {  	s10 =	simm.s32 $0x400;
	s11 =	simm.s32 $0x4600;
	[sflag:s3] =	ssyncadd.s32 $0xFFFFFC00  }
0x19: {  	[tilespmem:s11], [sflag:$0x1] =	stream.indirect.gather [hbm4b:s4+s10], $0x20, s9, s10, $0xb8;
	[tilespmem:$0xC600] =	vst v63  }
0x1a: {  	s13 =	smul.u32 $0xA000, s0;
	_ =	swait.ge [sflag:s6], $0x8000  }
0x1b: {  	s1 =	sadd.s32 $0x3EBC00, s12;
	[sflag:s6] =	ssyncset.done $0x0  }
0x1c: {  	s12 =	sadd.s32 s1, s13;
	[sflag:s6] =	ssyncadd.s32 $0xFFFF8000  }
0x1d: {  	[hbm4b:s12+s2] =	stream.linear.scatter [tilespmem:s11], [sflag:$0x2], $0x8000, $0x38;
	[tilespmem:$0xC600] =	vst v63  }
0x1e: {  	s14 =	sor.u32 $0x400, s31;
	_ =	swait.ge [sflag:s3], $0x8000  }
0x1f: {  	s26 =	sshrl.u32 s14, $0x3;
	[sflag:s3] =	ssyncset.done $0x0  }
0x20: {  	s13 =	sadd.s32 s30, s26;
	[sflag:s3] =	ssyncadd.s32 $0xFFFF8000  }
0x21: {  	[tilespmem:s9], [sflag:$0x2] =	stream.linear.gather [hbm4b:s13+s2], $0x400, $0x38;
	[tilespmem:$0xC600] =	vst v63  }
0x22: {  	_ =	swait.ge [sflag:s3], $0x400  }
0x23: {  	[sflag:s3] =	ssyncset.done $0x0  }
0x24: {  	[sflag:s3] =	ssyncadd.s32 $0xFFFFFC00  }
0x25: {  	[tilespmem:s11], [sflag:$0x1] =	stream.indirect.gather [hbm4b:s4+s10], $0x20, s9, s10, $0xb8;
	[tilespmem:$0xC600] =	vst v63  }
0x26: {  	_ =	swait.ge [sflag:s6], $0x8000  }
0x27: {  	s14 =	sshll.u32 s14, $0x2;
	[sflag:s6] =	ssyncset.done $0x0  }
0x28: {  	s14 =	sadd.s32 s1, s14;
	[sflag:s6] =	ssyncadd.s32 $0xFFFF8000  }
0x29: {  	[hbm4b:s14+s2] =	stream.linear.scatter [tilespmem:s11], [sflag:$0x2], $0x8000, $0x38;
	[tilespmem:$0xC600] =	vst v63  }
0x2a: {  	s16 =	sadd.s32 $0x800, s31;
	_ =	swait.ge [sflag:s3], $0x8000  }
0x2b: {  	s15 =	sshrl.u32 s16, $0x3;
	[sflag:s3] =	ssyncset.done $0x0  }
0x2c: {  	s15 =	sadd.s32 s30, s15;
	[sflag:s3] =	ssyncadd.s32 $0xFFFF8000  }
0x2d: {  	[tilespmem:s9], [sflag:$0x2] =	stream.linear.gather [hbm4b:s15+s2], $0x400, $0x38;
	[tilespmem:$0xC600] =	vst v63  }
0x2e: {  	_ =	swait.ge [sflag:s3], $0x400  }
0x2f: {  	[sflag:s3] =	ssyncset.done $0x0  }
0x30: {  	[sflag:s3] =	ssyncadd.s32 $0xFFFFFC00  }
0x31: {  	[tilespmem:s11], [sflag:$0x1] =	stream.indirect.gather [hbm4b:s4+s10], $0x20, s9, s10, $0xb8;
	[tilespmem:$0xC600] =	vst v63  }
0x32: {  	_ =	swait.ge [sflag:s6], $0x8000  }
0x33: {  	s16 =	sshll.u32 s16, $0x2;
	[sflag:s6] =	ssyncset.done $0x0  }
0x34: {  	s16 =	sadd.s32 s1, s16;
	[sflag:s6] =	ssyncadd.s32 $0xFFFF8000  }
0x35: {  	[hbm4b:s16+s2] =	stream.linear.scatter [tilespmem:s11], [sflag:$0x2], $0x8000, $0x38;
	[tilespmem:$0xC600] =	vst v63  }
0x36: {  	s18 =	sadd.s32 $0xC00, s31;
	_ =	swait.ge [sflag:s3], $0x8000  }
0x37: {  	s17 =	sshrl.u32 s18, $0x3;
	[sflag:s3] =	ssyncset.done $0x0  }
0x38: {  	s17 =	sadd.s32 s30, s17;
	[sflag:s3] =	ssyncadd.s32 $0xFFFF8000  }
0x39: {  	[tilespmem:s9], [sflag:$0x2] =	stream.linear.gather [hbm4b:s17+s2], $0x400, $0x38;
	[tilespmem:$0xC600] =	vst v63  }
0x3a: {  	_ =	swait.ge [sflag:s3], $0x400  }
0x3b: {  	[sflag:s3] =	ssyncset.done $0x0  }
0x3c: {  	[sflag:s3] =	ssyncadd.s32 $0xFFFFFC00  }
0x3d: {  	[tilespmem:s11], [sflag:$0x1] =	stream.indirect.gather [hbm4b:s4+s10], $0x20, s9, s10, $0xb8;
	[tilespmem:$0xC600] =	vst v63  }
0x3e: {  	_ =	swait.ge [sflag:s6], $0x8000  }
0x3f: {  	s18 =	sshll.u32 s18, $0x2;
	[sflag:s6] =	ssyncset.done $0x0  }
0x40: {  	s18 =	sadd.s32 s1, s18;
	[sflag:s6] =	ssyncadd.s32 $0xFFFF8000  }
0x41: {  	[hbm4b:s18+s2] =	stream.linear.scatter [tilespmem:s11], [sflag:$0x2], $0x8000, $0x38;
	[tilespmem:$0xC600] =	vst v63  }
0x42: {  	s20 =	sadd.s32 $0x1000, s31;
	_ =	swait.ge [sflag:s3], $0x8000  }
0x43: {  	s19 =	sshrl.u32 s20, $0x3;
	[sflag:s3] =	ssyncset.done $0x0  }
0x44: {  	s19 =	sadd.s32 s30, s19;
	[sflag:s3] =	ssyncadd.s32 $0xFFFF8000  }
0x45: {  	[tilespmem:s9], [sflag:$0x2] =	stream.linear.gather [hbm4b:s19+s2], $0x400, $0x38;
	[tilespmem:$0xC600] =	vst v63  }
0x46: {  	_ =	swait.ge [sflag:s3], $0x400  }
0x47: {  	[sflag:s3] =	ssyncset.done $0x0  }
0x48: {  	[sflag:s3] =	ssyncadd.s32 $0xFFFFFC00  }
0x49: {  	[tilespmem:s11], [sflag:$0x1] =	stream.indirect.gather [hbm4b:s4+s10], $0x20, s9, s10, $0xb8;
	[tilespmem:$0xC600] =	vst v63  }
0x4a: {  	_ =	swait.ge [sflag:s6], $0x8000  }
0x4b: {  	s20 =	sshll.u32 s20, $0x2;
	[sflag:s6] =	ssyncset.done $0x0  }
0x4c: {  	s20 =	sadd.s32 s1, s20;
	[sflag:s6] =	ssyncadd.s32 $0xFFFF8000  }
0x4d: {  	[hbm4b:s20+s2] =	stream.linear.scatter [tilespmem:s11], [sflag:$0x2], $0x8000, $0x38;
	[tilespmem:$0xC600] =	vst v63  }
0x4e: {  	s22 =	sadd.s32 $0x1400, s31;
	_ =	swait.ge [sflag:s3], $0x8000  }
0x4f: {  	s21 =	sshrl.u32 s22, $0x3;
	[sflag:s3] =	ssyncset.done $0x0  }
0x50: {  	s21 =	sadd.s32 s30, s21;
	[sflag:s3] =	ssyncadd.s32 $0xFFFF8000  }
0x51: {  	[tilespmem:s9], [sflag:$0x2] =	stream.linear.gather [hbm4b:s21+s2], $0x400, $0x38;
	[tilespmem:$0xC600] =	vst v63  }
0x52: {  	_ =	swait.ge [sflag:s3], $0x400  }
0x53: {  	[sflag:s3] =	ssyncset.done $0x0  }
0x54: {  	[sflag:s3] =	ssyncadd.s32 $0xFFFFFC00  }
0x55: {  	[tilespmem:s11], [sflag:$0x1] =	stream.indirect.gather [hbm4b:s4+s10], $0x20, s9, s10, $0xb8;
	[tilespmem:$0xC600] =	vst v63  }
0x56: {  	_ =	swait.ge [sflag:s6], $0x8000  }
0x57: {  	s22 =	sshll.u32 s22, $0x2;
	[sflag:s6] =	ssyncset.done $0x0  }
0x58: {  	s22 =	sadd.s32 s1, s22;
	[sflag:s6] =	ssyncadd.s32 $0xFFFF8000  }
0x59: {  	[hbm4b:s22+s2] =	stream.linear.scatter [tilespmem:s11], [sflag:$0x2], $0x8000, $0x38;
	[tilespmem:$0xC600] =	vst v63  }
0x5a: {  	s24 =	sadd.s32 $0x1800, s31;
	_ =	swait.ge [sflag:s3], $0x8000  }
0x5b: {  	s23 =	sshrl.u32 s24, $0x3;
	[sflag:s3] =	ssyncset.done $0x0  }
0x5c: {  	s23 =	sadd.s32 s30, s23;
	[sflag:s3] =	ssyncadd.s32 $0xFFFF8000  }
0x5d: {  	[tilespmem:s9], [sflag:$0x2] =	stream.linear.gather [hbm4b:s23+s2], $0x400, $0x38;
	[tilespmem:$0xC600] =	vst v63  }
0x5e: {  	_ =	swait.ge [sflag:s3], $0x400  }
0x5f: {  	[sflag:s3] =	ssyncset.done $0x0  }
0x60: {  	[sflag:s3] =	ssyncadd.s32 $0xFFFFFC00  }
0x61: {  	[tilespmem:s11], [sflag:$0x1] =	stream.indirect.gather [hbm4b:s4+s10], $0x20, s9, s10, $0xb8;
	[tilespmem:$0xC600] =	vst v63  }
0x62: {  	_ =	swait.ge [sflag:s6], $0x8000  }
0x63: {  	s24 =	sshll.u32 s24, $0x2;
	[sflag:s6] =	ssyncset.done $0x0  }
0x64: {  	s24 =	sadd.s32 s1, s24;
	[sflag:s6] =	ssyncadd.s32 $0xFFFF8000  }
0x65: {  	[hbm4b:s24+s2] =	stream.linear.scatter [tilespmem:s11], [sflag:$0x2], $0x8000, $0x38;
	[tilespmem:$0xC600] =	vst v63  }
0x66: {  	s26 =	sadd.s32 $0x1C00, s31;
	_ =	swait.ge [sflag:s3], $0x8000  }
0x67: {  	s25 =	sshrl.u32 s26, $0x3;
	[sflag:s3] =	ssyncset.done $0x0  }
0x68: {  	s25 =	sadd.s32 s30, s25;
	[sflag:s3] =	ssyncadd.s32 $0xFFFF8000  }
0x69: {  	[tilespmem:s9], [sflag:$0x2] =	stream.linear.gather [hbm4b:s25+s2], $0x400, $0x38;
	[tilespmem:$0xC600] =	vst v63  }
0x6a: {  	_ =	swait.ge [sflag:s3], $0x400  }
0x6b: {  	[sflag:s3] =	ssyncset.done $0x0  }
0x6c: {  	[sflag:s3] =	ssyncadd.s32 $0xFFFFFC00  }
0x6d: {  	[tilespmem:s11], [sflag:$0x1] =	stream.indirect.gather [hbm4b:s4+s10], $0x20, s9, s10, $0xb8;
	[tilespmem:$0xC600] =	vst v63  }
0x6e: {  	_ =	swait.ge [sflag:s6], $0x8000  }
0x6f: {  	s26 =	sshll.u32 s26, $0x2;
	[sflag:s6] =	ssyncset.done $0x0  }
0x70: {  	s26 =	sadd.s32 s1, s26;
	[dreg:$0x4] =	wrdreg s1;
	[sflag:s6] =	ssyncadd.s32 $0xFFFF8000  }
0x71: {  	[hbm4b:s26+s2] =	stream.linear.scatter [tilespmem:s11], [sflag:$0x2], $0x8000, $0x38;
	[tilespmem:$0xC600] =	vst v63  }
0x72: {  	s29 =	sadd.s32 $0x2000, s31;
	_ =	swait.ge [sflag:s3], $0x8000  }
0x73: {  	s28 =	sshrl.u32 s29, $0x3;
	[sflag:s3] =	ssyncset.done $0x0  }
0x74: {  	s28 =	sadd.s32 s30, s28;
	[sflag:s3] =	ssyncadd.s32 $0xFFFF8000  }
0x75: {  	[tilespmem:s9], [sflag:$0x2] =	stream.linear.gather [hbm4b:s28+s2], $0x400, $0x38;
	[tilespmem:$0xC600] =	vst v63  }
0x76: {  	_ =	swait.ge [sflag:s3], $0x400  }
0x77: {  	[sflag:s3] =	ssyncset.done $0x0  }
0x78: {  	[sflag:s3] =	ssyncadd.s32 $0xFFFFFC00  }
0x79: {  	[tilespmem:s11], [sflag:$0x1] =	stream.indirect.gather [hbm4b:s4+s10], $0x20, s9, s10, $0xb8;
	[tilespmem:$0xC600] =	vst v63  }
0x7a: {  	_ =	swait.ge [sflag:s6], $0x8000  }
0x7b: {  	s29 =	sshll.u32 s29, $0x2;
	[sflag:s6] =	ssyncset.done $0x0  }
0x7c: {  	s29 =	sadd.s32 s1, s29;
	[sflag:s6] =	ssyncadd.s32 $0xFFFF8000  }
0x7d: {  	[hbm4b:s29+s2] =	stream.linear.scatter [tilespmem:s11], [sflag:$0x2], $0x8000, $0x38;
	[tilespmem:$0xC600] =	vst v63  }
0x7e: {  	s31 =	sadd.s32 $0x2400, s31;
	_ =	swait.ge [sflag:s3], $0x8000  }
0x7f: {  	s0 =	sshrl.u32 s31, $0x3;
	[sflag:s3] =	ssyncset.done $0x0  }
0x80: {  	s30 =	sadd.s32 s30, s0;
	[sflag:s3] =	ssyncadd.s32 $0xFFFF8000  }
0x81: {  	[tilespmem:s9], [sflag:$0x2] =	stream.linear.gather [hbm4b:s30+s2], $0x400, $0x38;
	[tilespmem:$0xC600] =	vst v63  }
0x82: {  	_ =	swait.ge [sflag:s3], $0x400  }
0x83: {  	[sflag:s3] =	ssyncset.done $0x0;
	s1 =	rddreg [dreg:$0x3]  }
0x84: {  	s1 =	ssub.s32 $0x2, s1;
	[sflag:s3] =	ssyncadd.s32 $0xFFFFFC00  }
0x85: {  	[tilespmem:s11], [sflag:$0x1] =	stream.indirect.gather [hbm4b:s4+s10], $0x20, s9, s10, $0xb8;
	[tilespmem:$0xC600] =	vst v63  }
0x86: {  	s0 =	sshrl.u32 s1, $0x1  }
0x87: {  	s0 =	ssub.s32 s1, s0  }
0x88: {  	s0 =	smax.u32 s0, $0x1  }
0x89: {  	p0 =	sne.s32 s0, $0x1  }
.Ltmp0:
0x8a: {  	_ =	swait.ge [sflag:s6], $0x8000;
	(pc) =	sbr.rel @!p0 .LBB2_2-.Ltmp0, $4  }
0x8b: {  	s1 =	sshll.u32 s31, $0x2;
	[sflag:s6] =	ssyncset.done $0x0;
	s31 =	rddreg [dreg:$0x4]  }
0x8c: {  	s31 =	sadd.s32 s31, s1;
	[sflag:s6] =	ssyncadd.s32 $0xFFFF8000  }
0x8d: {  	[hbm4b:s31+s2] =	stream.linear.scatter [tilespmem:s11], [sflag:$0x2], $0x8000, $0x38;
	[tilespmem:$0xC600] =	vst v63  }
0x8e: {  	s1 =	sadd.s32 $0xFFFFFFFF, s0;
	_ =	swait.ge [sflag:s3], $0x8000  }
.LBB2_1:
0x8f: {  	[sflag:s3] =	ssyncset.done $0x0  }
0x90: {  	s0 =	rddreg [dreg:$0x2];
	[sflag:s3] =	ssyncadd.s32 $0xFFFF8000  }
0x91: {  	[tilespmem:s2], [sflag:$0x2] =	stream.linear.gather [hbm4b:s0+s2], $0x200, $0x38;
	[tilespmem:$0xC600] =	vst v63  }
0x92: {  	_ =	swait.ge [sflag:s3], $0x200  }
0x93: {  	[sflag:s3] =	ssyncset.done $0x0  }
0x94: {  	[sflag:s3] =	ssyncadd.s32 $0xFFFFFE00  }
0x95: {  	[tilespmem:s5], [sflag:$0x1] =	stream.indirect.gather [hbm4b:s4+s5], $0x20, s2, s5, $0xb8;
	[tilespmem:$0xC600] =	vst v63  }
0x96: {  	_ =	swait.ge [sflag:s6], $0x4000  }
0x97: {  	[sflag:s6] =	ssyncset.done $0x0  }
0x98: {  	[sflag:s6] =	ssyncadd.s32 $0xFFFFC000  }
0x99: {  	[hbm4b:s7+s2] =	stream.linear.scatter [tilespmem:s5], [sflag:$0x2], $0x4000, $0x38;
	[tilespmem:$0xC600] =	vst v63  }
0x9a: {  	_ =	swait.ge [sflag:s3], $0x4000  }
0x9b: {  	[sflag:s3] =	ssyncset.done $0x0  }
0x9c: {  	[sflag:s3] =	ssyncadd.s32 $0xFFFFC000  }
0x9d: {  	[tilespmem:s9], [sflag:$0x2] =	stream.linear.gather [hbm4b:s8+s2], $0x400, $0x38;
	[tilespmem:$0xC600] =	vst v63  }
0x9e: {  	_ =	swait.ge [sflag:s3], $0x400  }
0x9f: {  	[sflag:s3] =	ssyncset.done $0x0  }
0xa0: {  	[sflag:s3] =	ssyncadd.s32 $0xFFFFFC00  }
0xa1: {  	[tilespmem:s11], [sflag:$0x1] =	stream.indirect.gather [hbm4b:s4+s10], $0x20, s9, s10, $0xb8;
	[tilespmem:$0xC600] =	vst v63  }
0xa2: {  	_ =	swait.ge [sflag:s6], $0x8000  }
0xa3: {  	[sflag:s6] =	ssyncset.done $0x0  }
0xa4: {  	[sflag:s6] =	ssyncadd.s32 $0xFFFF8000  }
0xa5: {  	[hbm4b:s12+s2] =	stream.linear.scatter [tilespmem:s11], [sflag:$0x2], $0x8000, $0x38;
	[tilespmem:$0xC600] =	vst v63  }
0xa6: {  	_ =	swait.ge [sflag:s3], $0x8000  }
0xa7: {  	[sflag:s3] =	ssyncset.done $0x0  }
0xa8: {  	[sflag:s3] =	ssyncadd.s32 $0xFFFF8000  }
0xa9: {  	[tilespmem:s9], [sflag:$0x2] =	stream.linear.gather [hbm4b:s13+s2], $0x400, $0x38;
	[tilespmem:$0xC600] =	vst v63  }
0xaa: {  	_ =	swait.ge [sflag:s3], $0x400  }
0xab: {  	[sflag:s3] =	ssyncset.done $0x0  }
0xac: {  	[sflag:s3] =	ssyncadd.s32 $0xFFFFFC00  }
0xad: {  	[tilespmem:s11], [sflag:$0x1] =	stream.indirect.gather [hbm4b:s4+s10], $0x20, s9, s10, $0xb8;
	[tilespmem:$0xC600] =	vst v63  }
0xae: {  	_ =	swait.ge [sflag:s6], $0x8000  }
0xaf: {  	[sflag:s6] =	ssyncset.done $0x0  }
0xb0: {  	[sflag:s6] =	ssyncadd.s32 $0xFFFF8000  }
0xb1: {  	[hbm4b:s14+s2] =	stream.linear.scatter [tilespmem:s11], [sflag:$0x2], $0x8000, $0x38;
	[tilespmem:$0xC600] =	vst v63  }
0xb2: {  	_ =	swait.ge [sflag:s3], $0x8000  }
0xb3: {  	[sflag:s3] =	ssyncset.done $0x0  }
0xb4: {  	[sflag:s3] =	ssyncadd.s32 $0xFFFF8000  }
0xb5: {  	[tilespmem:s9], [sflag:$0x2] =	stream.linear.gather [hbm4b:s15+s2], $0x400, $0x38;
	[tilespmem:$0xC600] =	vst v63  }
0xb6: {  	_ =	swait.ge [sflag:s3], $0x400  }
0xb7: {  	[sflag:s3] =	ssyncset.done $0x0  }
0xb8: {  	[sflag:s3] =	ssyncadd.s32 $0xFFFFFC00  }
0xb9: {  	[tilespmem:s11], [sflag:$0x1] =	stream.indirect.gather [hbm4b:s4+s10], $0x20, s9, s10, $0xb8;
	[tilespmem:$0xC600] =	vst v63  }
0xba: {  	_ =	swait.ge [sflag:s6], $0x8000  }
0xbb: {  	[sflag:s6] =	ssyncset.done $0x0  }
0xbc: {  	[sflag:s6] =	ssyncadd.s32 $0xFFFF8000  }
0xbd: {  	[hbm4b:s16+s2] =	stream.linear.scatter [tilespmem:s11], [sflag:$0x2], $0x8000, $0x38;
	[tilespmem:$0xC600] =	vst v63  }
0xbe: {  	_ =	swait.ge [sflag:s3], $0x8000  }
0xbf: {  	[sflag:s3] =	ssyncset.done $0x0  }
0xc0: {  	[sflag:s3] =	ssyncadd.s32 $0xFFFF8000  }
0xc1: {  	[tilespmem:s9], [sflag:$0x2] =	stream.linear.gather [hbm4b:s17+s2], $0x400, $0x38;
	[tilespmem:$0xC600] =	vst v63  }
0xc2: {  	_ =	swait.ge [sflag:s3], $0x400  }
0xc3: {  	[sflag:s3] =	ssyncset.done $0x0  }
0xc4: {  	[sflag:s3] =	ssyncadd.s32 $0xFFFFFC00  }
0xc5: {  	[tilespmem:s11], [sflag:$0x1] =	stream.indirect.gather [hbm4b:s4+s10], $0x20, s9, s10, $0xb8;
	[tilespmem:$0xC600] =	vst v63  }
0xc6: {  	_ =	swait.ge [sflag:s6], $0x8000  }
0xc7: {  	[sflag:s6] =	ssyncset.done $0x0  }
0xc8: {  	[sflag:s6] =	ssyncadd.s32 $0xFFFF8000  }
0xc9: {  	[hbm4b:s18+s2] =	stream.linear.scatter [tilespmem:s11], [sflag:$0x2], $0x8000, $0x38;
	[tilespmem:$0xC600] =	vst v63  }
0xca: {  	_ =	swait.ge [sflag:s3], $0x8000  }
0xcb: {  	[sflag:s3] =	ssyncset.done $0x0  }
0xcc: {  	[sflag:s3] =	ssyncadd.s32 $0xFFFF8000  }
0xcd: {  	[tilespmem:s9], [sflag:$0x2] =	stream.linear.gather [hbm4b:s19+s2], $0x400, $0x38;
	[tilespmem:$0xC600] =	vst v63  }
0xce: {  	_ =	swait.ge [sflag:s3], $0x400  }
0xcf: {  	[sflag:s3] =	ssyncset.done $0x0  }
0xd0: {  	[sflag:s3] =	ssyncadd.s32 $0xFFFFFC00  }
0xd1: {  	[tilespmem:s11], [sflag:$0x1] =	stream.indirect.gather [hbm4b:s4+s10], $0x20, s9, s10, $0xb8;
	[tilespmem:$0xC600] =	vst v63  }
0xd2: {  	_ =	swait.ge [sflag:s6], $0x8000  }
0xd3: {  	[sflag:s6] =	ssyncset.done $0x0  }
0xd4: {  	[sflag:s6] =	ssyncadd.s32 $0xFFFF8000  }
0xd5: {  	[hbm4b:s20+s2] =	stream.linear.scatter [tilespmem:s11], [sflag:$0x2], $0x8000, $0x38;
	[tilespmem:$0xC600] =	vst v63  }
0xd6: {  	_ =	swait.ge [sflag:s3], $0x8000  }
0xd7: {  	[sflag:s3] =	ssyncset.done $0x0  }
0xd8: {  	[sflag:s3] =	ssyncadd.s32 $0xFFFF8000  }
0xd9: {  	[tilespmem:s9], [sflag:$0x2] =	stream.linear.gather [hbm4b:s21+s2], $0x400, $0x38;
	[tilespmem:$0xC600] =	vst v63  }
0xda: {  	_ =	swait.ge [sflag:s3], $0x400  }
0xdb: {  	[sflag:s3] =	ssyncset.done $0x0  }
0xdc: {  	[sflag:s3] =	ssyncadd.s32 $0xFFFFFC00  }
0xdd: {  	[tilespmem:s11], [sflag:$0x1] =	stream.indirect.gather [hbm4b:s4+s10], $0x20, s9, s10, $0xb8;
	[tilespmem:$0xC600] =	vst v63  }
0xde: {  	_ =	swait.ge [sflag:s6], $0x8000  }
0xdf: {  	[sflag:s6] =	ssyncset.done $0x0  }
0xe0: {  	[sflag:s6] =	ssyncadd.s32 $0xFFFF8000  }
0xe1: {  	[hbm4b:s22+s2] =	stream.linear.scatter [tilespmem:s11], [sflag:$0x2], $0x8000, $0x38;
	[tilespmem:$0xC600] =	vst v63  }
0xe2: {  	_ =	swait.ge [sflag:s3], $0x8000  }
0xe3: {  	[sflag:s3] =	ssyncset.done $0x0  }
0xe4: {  	[sflag:s3] =	ssyncadd.s32 $0xFFFF8000  }
0xe5: {  	[tilespmem:s9], [sflag:$0x2] =	stream.linear.gather [hbm4b:s23+s2], $0x400, $0x38;
	[tilespmem:$0xC600] =	vst v63  }
0xe6: {  	_ =	swait.ge [sflag:s3], $0x400  }
0xe7: {  	[sflag:s3] =	ssyncset.done $0x0  }
0xe8: {  	[sflag:s3] =	ssyncadd.s32 $0xFFFFFC00  }
0xe9: {  	[tilespmem:s11], [sflag:$0x1] =	stream.indirect.gather [hbm4b:s4+s10], $0x20, s9, s10, $0xb8;
	[tilespmem:$0xC600] =	vst v63  }
0xea: {  	_ =	swait.ge [sflag:s6], $0x8000  }
0xeb: {  	[sflag:s6] =	ssyncset.done $0x0  }
0xec: {  	[sflag:s6] =	ssyncadd.s32 $0xFFFF8000  }
0xed: {  	[hbm4b:s24+s2] =	stream.linear.scatter [tilespmem:s11], [sflag:$0x2], $0x8000, $0x38;
	[tilespmem:$0xC600] =	vst v63  }
0xee: {  	_ =	swait.ge [sflag:s3], $0x8000  }
0xef: {  	[sflag:s3] =	ssyncset.done $0x0  }
0xf0: {  	[sflag:s3] =	ssyncadd.s32 $0xFFFF8000  }
0xf1: {  	[tilespmem:s9], [sflag:$0x2] =	stream.linear.gather [hbm4b:s25+s2], $0x400, $0x38;
	[tilespmem:$0xC600] =	vst v63  }
0xf2: {  	_ =	swait.ge [sflag:s3], $0x400  }
0xf3: {  	[sflag:s3] =	ssyncset.done $0x0  }
0xf4: {  	[sflag:s3] =	ssyncadd.s32 $0xFFFFFC00  }
0xf5: {  	[tilespmem:s11], [sflag:$0x1] =	stream.indirect.gather [hbm4b:s4+s10], $0x20, s9, s10, $0xb8;
	[tilespmem:$0xC600] =	vst v63  }
0xf6: {  	_ =	swait.ge [sflag:s6], $0x8000  }
0xf7: {  	[sflag:s6] =	ssyncset.done $0x0  }
0xf8: {  	[sflag:s6] =	ssyncadd.s32 $0xFFFF8000  }
0xf9: {  	[hbm4b:s26+s2] =	stream.linear.scatter [tilespmem:s11], [sflag:$0x2], $0x8000, $0x38;
	[tilespmem:$0xC600] =	vst v63  }
0xfa: {  	_ =	swait.ge [sflag:s3], $0x8000  }
0xfb: {  	[sflag:s3] =	ssyncset.done $0x0  }
0xfc: {  	[sflag:s3] =	ssyncadd.s32 $0xFFFF8000  }
0xfd: {  	[tilespmem:s9], [sflag:$0x2] =	stream.linear.gather [hbm4b:s28+s2], $0x400, $0x38;
	[tilespmem:$0xC600] =	vst v63  }
0xfe: {  	_ =	swait.ge [sflag:s3], $0x400  }
0xff: {  	[sflag:s3] =	ssyncset.done $0x0  }
0x100: {  	[sflag:s3] =	ssyncadd.s32 $0xFFFFFC00  }
0x101: {  	[tilespmem:s11], [sflag:$0x1] =	stream.indirect.gather [hbm4b:s4+s10], $0x20, s9, s10, $0xb8;
	[tilespmem:$0xC600] =	vst v63  }
0x102: {  	_ =	swait.ge [sflag:s6], $0x8000  }
0x103: {  	[sflag:s6] =	ssyncset.done $0x0  }
0x104: {  	[sflag:s6] =	ssyncadd.s32 $0xFFFF8000  }
0x105: {  	[hbm4b:s29+s2] =	stream.linear.scatter [tilespmem:s11], [sflag:$0x2], $0x8000, $0x38;
	[tilespmem:$0xC600] =	vst v63  }
0x106: {  	_ =	swait.ge [sflag:s3], $0x8000  }
0x107: {  	[sflag:s3] =	ssyncset.done $0x0  }
0x108: {  	[sflag:s3] =	ssyncadd.s32 $0xFFFF8000  }
0x109: {  	[tilespmem:s9], [sflag:$0x2] =	stream.linear.gather [hbm4b:s30+s2], $0x400, $0x38;
	[tilespmem:$0xC600] =	vst v63  }
0x10a: {  	_ =	swait.ge [sflag:s3], $0x400  }
0x10b: {  	[sflag:s3] =	ssyncset.done $0x0  }
0x10c: {  	p0 =	sne.s32 s1, $0x1;
	[sflag:s3] =	ssyncadd.s32 $0xFFFFFC00  }
0x10d: {  	[tilespmem:s11], [sflag:$0x1] =	stream.indirect.gather [hbm4b:s4+s10], $0x20, s9, s10, $0xb8;
	[tilespmem:$0xC600] =	vst v63  }
.Ltmp1:
0x10e: {  	_ =	swait.ge [sflag:s6], $0x8000;
	(pc) =	sbr.rel @p0 .LBB2_1-.Ltmp1, $4  }
0x10f: {  	[sflag:s6] =	ssyncset.done $0x0  }
0x110: {  	[sflag:s6] =	ssyncadd.s32 $0xFFFF8000  }
0x111: {  	[hbm4b:s31+s2] =	stream.linear.scatter [tilespmem:s11], [sflag:$0x2], $0x8000, $0x38;
	[tilespmem:$0xC600] =	vst v63  }
0x112: {  	s1 =	sadd.s32 $0xFFFFFFFF, s1;
	_ =	swait.ge [sflag:s3], $0x8000  }
.LBB2_2:
0x113: {  	[sflag:s3] =	ssyncset.done $0x0  }
0x114: {  	[sflag:s3] =	ssyncadd.s32 $0xFFFF8000  }
0x115: {  	_ =	sfence.sel $0x180000  }
0x116: {  	[bflag:$0x0] =	sbarrier.arrive $0xFFFF  }
0x117: {  	_ =	strace $0x90000047  }
0x118: {  	s0 =	stileid.u32;
	[bflag:$0x2] =	sbarrier.arrive $0xFFFF  }
0x119: {  	p0 =	sne.s32 s0, $0x0;
	s0 =	rddreg [dreg:$0x1]  }
0x11a: {  	s0 =	sadd.s32 @!p0 $0x100000, s0  }
0x11b: {  	[sflag:s0] =	ssyncadd.tile.s32 @!p0 $0x1;
	_ =	shalt  }
.Lfunc_end2:
_tile_overlayer_lowered:
.L_overlay_start_2:
0x11c: {  	(tag) =	ssettag $0x2  }
0x11d: {  	s0 =	rddreg [dreg:$0x0];
	s2 =	stileid.u32  }
0x11e: {  	s1 =	rddreg [dreg:$0x1];
	p0 =	sne.s32 s2, $0x0  }
0x11f: {  	s3 =	rddreg [dreg:$0x2];
	[bflag:$0x3] =	sbarrier.arrive $0xFFFF;
	s2 =	simm.s32 @!p0 $0x1C02  }
0x120: {  	[timem:s3], [sflag:s2] =	dma.local @!p0 [hbm:s0], s1  }
0x121: {  	s0 =	simm.s32 @!p0 $0x2  }
0x122: {  	_ =	swait.ge @!p0 [sflag:s0], s1  }
0x123: {  	s1 =	ssub.s32 @!p0 $0x0, s1;
	[sflag:s0] =	ssyncset.done @!p0 $0x0  }
0x124: {  	[sflag:s0] =	ssyncadd.s32 @!p0 s1  }
0x125: {  	[bflag:$0x3] =	sbarrier.arrive $0xFFFF  }
0x126: {  	_ =	shalt  }

</sc_bundles>
